<compile_context>
chip_gen: v7x
topology: tpu7x:2x2x1
jax: 0.10.2.dev20260603
libtpu: 0.0.44.dev20260713+nightly
codegen_flags: <defaults>
</compile_context>

<pallas_src>
import functools

import jax
import jax.numpy as jnp
from jax.experimental import pallas as pl
from jax.experimental.pallas import tpu as pltpu

_B, _T, _N, _H = 16, 16, 150, 256
_H2 = _H // 2
_G = _B * _T
_CT = 32
_NP = 160
_M = _CT * _NP
_CPAD = 128


def _body(oc_ref, st_ref, ids_ref, ct_ref,
          wc1_ref, bc1_ref, wc2_ref, bc2_ref,
          wst_ref, bst_ref,
          wcb_class_ref, wcb_coord_ref, wcb_state_ref, bcb_ref,
          wpp_node_ref, wpp_x_ref, bpp_ref,
          out_ref, tc_ref, oc_s, st_s, xc_s):
    f32 = jnp.float32
    bf16 = jnp.bfloat16

    def mm(a, b):
        return jnp.dot(a.astype(bf16), b, preferred_element_type=f32)

    @pl.when(pl.program_id(0) == 0)
    def _():
        tc_ref[...] = mm(jnp.maximum(ct_ref[...], 0.0),
                         wcb_class_ref[...]).astype(bf16)

    for g in range(_CT):
        oc_s[pl.ds(g * _NP, _N), :] = oc_ref[g].astype(bf16)
        st_s[pl.ds(g * _NP, _N), :] = st_ref[g].astype(bf16)
        ids_row = ids_ref[pl.ds(g, 1), :]
        onehot_t = (ids_row ==
                    jax.lax.broadcasted_iota(jnp.int32, (_CPAD, _N), 0)
                    ).astype(bf16)
        xc_s[pl.ds(g * _NP, _N), :] = jax.lax.dot_general(
            onehot_t, tc_ref[...], (((0,), (0,)), ((), ())),
            preferred_element_type=f32)

    h1 = jnp.maximum(mm(oc_s[...], wc1_ref[...]) + bc1_ref[...], 0.0)
    coord_emb = mm(h1, wc2_ref[...]) + bc2_ref[...]
    state_emb = mm(st_s[...], wst_ref[...]) + bst_ref[...]
    x = (xc_s[...]
         + mm(jnp.maximum(coord_emb, 0.0), wcb_coord_ref[...])
         + mm(jnp.maximum(state_emb, 0.0), wcb_state_ref[...])
         + bcb_ref[...])

    y = mm(x, wpp_x_ref[...]) + bpp_ref[...]
    e = jnp.maximum(y, 0.0)
    e = jnp.maximum(mm(e, wpp_node_ref[...]) + y, 0.0)
    e = jnp.maximum(mm(e, wpp_node_ref[...]) + y, 0.0)
    for g in range(_CT):
        out_ref[g] = e[g * _NP:g * _NP + _N]


@functools.partial(jax.jit, static_argnames=())
def kernel(object_coords, states_objects, mask_edge, class_table,
           W_state, b_state, W_c1, b_c1, W_c2, b_c2, W_comb, b_comb,
           W_eb, b_eb, W_pp, b_pp,
           class_objects, from_indices_onehot, to_indices_onehot):
    del mask_edge, W_eb, b_eb, from_indices_onehot, to_indices_onehot

    bf16 = jnp.bfloat16
    oc = object_coords.reshape(_G, _N, 6)
    st = states_objects.reshape(_G, _N, 4)
    ids = class_objects.reshape(_G, _N)
    ct = jnp.pad(class_table, ((0, _CPAD - class_table.shape[0]), (0, 0)))

    row2 = lambda v: v.reshape(1, -1)
    wfull = lambda s: pl.BlockSpec(s, lambda i: tuple(0 for _ in s))

    grid = (_G // _CT,)
    out = pl.pallas_call(
        _body,
        grid=grid,
        in_specs=[
            pl.BlockSpec((_CT, _N, 6), lambda i: (i, 0, 0)),
            pl.BlockSpec((_CT, _N, 4), lambda i: (i, 0, 0)),
            pl.BlockSpec((_CT, _N), lambda i: (i, 0)),
            wfull((_CPAD, _H2)),
            wfull((6, _H2)), wfull((1, _H2)),
            wfull((_H2, _H2)), wfull((1, _H2)),
            wfull((4, _H2)), wfull((1, _H2)),
            wfull((_H2, _H)),
            wfull((_H2, _H)),
            wfull((_H2, _H)),
            wfull((1, _H)),
            wfull((_H, _H)),
            wfull((_H, _H)),
            wfull((1, _H)),
        ],
        out_specs=pl.BlockSpec((_CT, _N, _H), lambda i: (i, 0, 0)),
        out_shape=jax.ShapeDtypeStruct((_G, _N, _H), jnp.float32),
        scratch_shapes=[
            pltpu.VMEM((_CPAD, _H), bf16),
            pltpu.VMEM((_M, 6), bf16),
            pltpu.VMEM((_M, 4), bf16),
            pltpu.VMEM((_M, _H), jnp.float32),
        ],
    )(oc, st, ids, ct,
      W_c1.astype(bf16), row2(b_c1), W_c2.astype(bf16), row2(b_c2),
      W_state.astype(bf16), row2(b_state),
      W_comb[:_H2].astype(bf16), W_comb[_H2:2 * _H2].astype(bf16),
      W_comb[2 * _H2:].astype(bf16), row2(b_comb),
      W_pp[:_H].astype(bf16), W_pp[_H:].astype(bf16), row2(b_pp))
    return out.reshape(_B, _T, _N, _H)

# --- scband reference (transcript-rebuilt; emitter-appended) ---
"""Pipeline reference for scband-gnnbase2-72370198937876 (READ-ONLY COPY).

The authoritative reference and input builder live on the scoring server;
editing this copy changes nothing except your own understanding.
"""

import jax, jax.numpy as jnp
import numpy as np

B, T, N, NE, H = 16, 16, 150, 500, 256
NUM_CLASSES = 100
NUM_STATES = 4
NUM_PROP = 3


def _linear(key, fin, fout):
    k1, k2 = jax.random.split(key)
    s = 1.0 / np.sqrt(fin)
    W = jax.random.uniform(k1, (fin, fout), minval=-s, maxval=s, dtype=jnp.float32)
    b = jax.random.uniform(k2, (fout,), minval=-s, maxval=s, dtype=jnp.float32)
    return W, b


def setup_inputs(seed: int = 0):
    key = jax.random.key(seed)
    ks = jax.random.split(key, 16)
    h2 = H // 2
    class_objects = jax.random.randint(ks[0], (B, T, N), 0, NUM_CLASSES, dtype=jnp.int32)
    object_coords = jax.random.normal(ks[1], (B, T, N, 6), dtype=jnp.float32)
    states_objects = jax.random.uniform(ks[2], (B, T, N, NUM_STATES), dtype=jnp.float32)
    mask_edge = jnp.ones((B, T, NE), dtype=jnp.float32)
    coord0 = jnp.broadcast_to(jnp.arange(B * T, dtype=jnp.int32).reshape(B, T, 1), (B, T, NE))
    coord1 = jnp.broadcast_to(jnp.arange(NE, dtype=jnp.int32).reshape(1, 1, NE), (B, T, NE))
    from_nodes = jax.random.randint(ks[3], (B, T, NE), 0, N, dtype=jnp.int32)
    to_nodes = jax.random.randint(ks[4], (B, T, NE), 0, N, dtype=jnp.int32)
    from_indices_onehot = jnp.stack([coord0, coord1, from_nodes], axis=-1)
    to_indices_onehot = jnp.stack([coord0, coord1, to_nodes], axis=-1)
    class_table = jax.random.normal(ks[5], (NUM_CLASSES, h2), dtype=jnp.float32)
    W_state, b_state = _linear(ks[6], NUM_STATES, h2)
    W_c1, b_c1 = _linear(ks[7], 6, h2)
    W_c2, b_c2 = _linear(ks[8], h2, h2)
    W_comb, b_comb = _linear(ks[9], H + h2, H)
    W_eb, b_eb = _linear(ks[10], H * 2, H)
    W_pp, b_pp = _linear(ks[11], H * 2, H)
    return {
        'object_coords': object_coords, 'states_objects': states_objects,
        'mask_edge': mask_edge, 'class_table': class_table,
        'W_state': W_state, 'b_state': b_state, 'W_c1': W_c1, 'b_c1': b_c1,
        'W_c2': W_c2, 'b_c2': b_c2, 'W_comb': W_comb, 'b_comb': b_comb,
        'W_eb': W_eb, 'b_eb': b_eb, 'W_pp': W_pp, 'b_pp': b_pp,
        'class_objects': class_objects,
        'from_indices_onehot': from_indices_onehot,
        'to_indices_onehot': to_indices_onehot,
    }


def reference(object_coords, states_objects, mask_edge, class_table,
              W_state, b_state, W_c1, b_c1, W_c2, b_c2, W_comb, b_comb,
              W_eb, b_eb, W_pp, b_pp,
              class_objects, from_indices_onehot, to_indices_onehot):
    # ObjNameCoordStateEncode
    state_emb = states_objects @ W_state + b_state
    class_emb = class_table[class_objects]
    coord_emb = jax.nn.relu(object_coords @ W_c1 + b_c1) @ W_c2 + b_c2
    inp = jnp.concatenate([class_emb, coord_emb, state_emb], axis=-1)
    x_in = jax.nn.relu(inp) @ W_comb + b_comb  # [B,T,N,H]
    bt = B * T
    x_in = x_in.reshape(bt, N, H)
    mask = mask_edge.reshape(bt, NE)
    # index normalization (mirrors in-place subtraction in torch code)
    fi = from_indices_onehot.reshape(-1, 3)
    ti = to_indices_onehot.reshape(-1, 3)
    fi0 = fi[:, 0] - fi[0, 0]
    fi1 = fi[:, 1]
    fi2 = fi[:, 2]
    ti0 = ti[:, 0] - ti[0, 0]
    ti1 = ti[:, 1]
    ti2 = ti[:, 2]
    vals = mask.reshape(-1)
    node_emb = jnp.zeros_like(x_in)
    for _ in range(NUM_PROP):
        # sparse bmm: edge_from @ node_emb and edge_to @ node_emb (gather + scatter-add)
        from_info = jnp.zeros((bt, NE, H), dtype=x_in.dtype).at[fi0, fi1].add(vals[:, None] * node_emb[fi0, fi2])
        to_info = jnp.zeros((bt, NE, H), dtype=x_in.dtype).at[ti0, ti1].add(vals[:, None] * node_emb[ti0, ti2])
        edge_info = jax.nn.relu(jnp.concatenate([to_info, from_info], axis=-1) @ W_eb + b_eb)
        # edge_to^T @ edge_info : scatter-add back to nodes (computed but unused, matches torch)
        node_info = jnp.zeros((bt, N, H), dtype=x_in.dtype).at[ti0, ti2].add(vals[:, None] * edge_info[ti0, ti1])
        del node_info
        node_emb = jax.nn.relu(jnp.concatenate([node_emb, x_in], axis=-1) @ W_pp + b_pp)
    return node_emb.reshape(B, T, N, H)

if __name__ == "__main__":
    import jax
    _d = setup_inputs()
    print(jax.jit(kernel)(*tuple(_d.values())))

</pallas_src>

<mosaic_0001>
module attributes {stable_mosaic.version = 14 : i64} {
  func.func @_body(%arg0: i32, %arg1: memref<32x150x6xf32, #tpu.memory_space<vmem>>, %arg2: memref<32x150x4xf32, #tpu.memory_space<vmem>>, %arg3: memref<32x150xi32, #tpu.memory_space<vmem>>, %arg4: memref<128x128xf32, #tpu.memory_space<vmem>>, %arg5: memref<6x128xbf16, #tpu.memory_space<vmem>>, %arg6: memref<1x128xf32, #tpu.memory_space<vmem>>, %arg7: memref<128x128xbf16, #tpu.memory_space<vmem>>, %arg8: memref<1x128xf32, #tpu.memory_space<vmem>>, %arg9: memref<4x128xbf16, #tpu.memory_space<vmem>>, %arg10: memref<1x128xf32, #tpu.memory_space<vmem>>, %arg11: memref<128x256xbf16, #tpu.memory_space<vmem>>, %arg12: memref<128x256xbf16, #tpu.memory_space<vmem>>, %arg13: memref<128x256xbf16, #tpu.memory_space<vmem>>, %arg14: memref<1x256xf32, #tpu.memory_space<vmem>>, %arg15: memref<256x256xbf16, #tpu.memory_space<vmem>>, %arg16: memref<256x256xbf16, #tpu.memory_space<vmem>>, %arg17: memref<1x256xf32, #tpu.memory_space<vmem>>, %arg18: memref<32x150x256xf32, #tpu.memory_space<vmem>>, %arg19: memref<128x256xbf16, #tpu.memory_space<vmem>>, %arg20: memref<5120x6xbf16, #tpu.memory_space<vmem>>, %arg21: memref<5120x4xbf16, #tpu.memory_space<vmem>>, %arg22: memref<5120x256xf32, #tpu.memory_space<vmem>>) attributes {dimension_semantics = [#tpu.dimension_semantics<arbitrary>], iteration_bounds = array<i64: 8>, scalar_prefetch = 0 : i64, scratch_operands = 4 : i64, tpu.core_type = #tpu.core_type<tc>, window_params = [{transform_indices = @transform_0, window_bounds = array<i64: 32, 150, 6>}, {transform_indices = @transform_1, window_bounds = array<i64: 32, 150, 4>}, {transform_indices = @transform_2, window_bounds = array<i64: 32, 150>}, {pipeline_mode = #tpu.pipeline_mode<synchronous>, transform_indices = @transform_3, window_bounds = array<i64: 128, 128>}, {pipeline_mode = #tpu.pipeline_mode<synchronous>, transform_indices = @transform_4, window_bounds = array<i64: 6, 128>}, {pipeline_mode = #tpu.pipeline_mode<synchronous>, transform_indices = @transform_5, window_bounds = array<i64: 1, 128>}, {pipeline_mode = #tpu.pipeline_mode<synchronous>, transform_indices = @transform_6, window_bounds = array<i64: 128, 128>}, {pipeline_mode = #tpu.pipeline_mode<synchronous>, transform_indices = @transform_7, window_bounds = array<i64: 1, 128>}, {pipeline_mode = #tpu.pipeline_mode<synchronous>, transform_indices = @transform_8, window_bounds = array<i64: 4, 128>}, {pipeline_mode = #tpu.pipeline_mode<synchronous>, transform_indices = @transform_9, window_bounds = array<i64: 1, 128>}, {pipeline_mode = #tpu.pipeline_mode<synchronous>, transform_indices = @transform_10, window_bounds = array<i64: 128, 256>}, {pipeline_mode = #tpu.pipeline_mode<synchronous>, transform_indices = @transform_11, window_bounds = array<i64: 128, 256>}, {pipeline_mode = #tpu.pipeline_mode<synchronous>, transform_indices = @transform_12, window_bounds = array<i64: 128, 256>}, {pipeline_mode = #tpu.pipeline_mode<synchronous>, transform_indices = @transform_13, window_bounds = array<i64: 1, 256>}, {pipeline_mode = #tpu.pipeline_mode<synchronous>, transform_indices = @transform_14, window_bounds = array<i64: 256, 256>}, {pipeline_mode = #tpu.pipeline_mode<synchronous>, transform_indices = @transform_15, window_bounds = array<i64: 256, 256>}, {pipeline_mode = #tpu.pipeline_mode<synchronous>, transform_indices = @transform_16, window_bounds = array<i64: 1, 256>}, {transform_indices = @transform_17, window_bounds = array<i64: 32, 150, 256>}]} {
    %eq3A = arith.constant 0 : i32
    %eq3A_0 = arith.cmpi eq, %arg0, %eq3A : i32
    %convert_element_type3A = arith.extui %eq3A_0 : i1 to i32
    %cond3A = arith.constant 0 : i32
    %cond3A_1 = arith.cmpi ne, %convert_element_type3A, %cond3A : i32
    scf.if %cond3A_1 {
      %get3A_1441 = arith.constant 0 : index
      %get3A_1442 = arith.constant 0 : index
      %get3A_1443 = vector.load %arg4[%get3A_1441, %get3A_1442] : memref<128x128xf32, #tpu.memory_space<vmem>>, vector<128x128xf32>
      %max3A_1444 = arith.constant 0.000000e+00 : f32
      %max3A_1445 = vector.broadcast %max3A_1444 : f32 to vector<128x128xf32>
      %max3A_1446 = arith.maximumf %get3A_1443, %max3A_1445 : vector<128x128xf32>
      %get3A_1447 = arith.constant 0 : index
      %get3A_1448 = arith.constant 0 : index
      %get3A_1449 = vector.load %arg11[%get3A_1447, %get3A_1448] : memref<128x256xbf16, #tpu.memory_space<vmem>>, vector<128x256xbf16>
      %convert_element_type3A_1450 = arith.truncf %max3A_1446 : vector<128x128xf32> to vector<128x128xbf16>
      %dot_general3A_1451 = arith.constant dense<0.000000e+00> : vector<128x256xf32>
      %dot_general3A_1452 = tpu.matmul %convert_element_type3A_1450, %get3A_1449, %dot_general3A_1451 {dimension_numbers = #tpu.dot_dimension_numbers<[1], [0], [0], [1], [0, 0, 1, 1], [], []>, transpose_lhs_hint = false} : vector<128x128xbf16>, vector<128x256xbf16>, vector<128x256xf32> -> vector<128x256xf32>
      %convert_element_type3A_1453 = arith.truncf %dot_general3A_1452 : vector<128x256xf32> to vector<128x256xbf16>
      %swap3A_1454 = arith.constant 0 : index
      %swap3A_1455 = arith.constant 0 : index
      %swap3A_1456 = vector.load %arg19[%swap3A_1454, %swap3A_1455] : memref<128x256xbf16, #tpu.memory_space<vmem>>, vector<128x256xbf16>
      tpu.vector_store %arg19[%swap3A_1454, %swap3A_1455], %convert_element_type3A_1453 {strides = array<i32>} : memref<128x256xbf16, #tpu.memory_space<vmem>>, vector<128x256xbf16>,
    } else {
    }
    %get3A = arith.constant 0 : index
    %get3A_2 = arith.constant 0 : index
    %get3A_3 = arith.constant 0 : index
    %get3A_4 = vector.load %arg1[%get3A, %get3A_2, %get3A_3] : memref<32x150x6xf32, #tpu.memory_space<vmem>>, vector<1x150x6xf32>
    %get3A_5 = vector.shape_cast %get3A_4 : vector<1x150x6xf32> to vector<150x6xf32>
    %convert_element_type3A_6 = arith.truncf %get3A_5 : vector<150x6xf32> to vector<150x6xbf16>
    %swap3A = arith.constant 0 : index
    %swap3A_7 = arith.constant 0 : index
    %swap3A_8 = vector.load %arg20[%swap3A, %swap3A_7] : memref<5120x6xbf16, #tpu.memory_space<vmem>>, vector<150x6xbf16>
    tpu.vector_store %arg20[%swap3A, %swap3A_7], %convert_element_type3A_6 {strides = array<i32>} : memref<5120x6xbf16, #tpu.memory_space<vmem>>, vector<150x6xbf16>,
    %get3A_9 = arith.constant 0 : index
    %get3A_10 = arith.constant 0 : index
    %get3A_11 = arith.constant 0 : index
    %get3A_12 = vector.load %arg2[%get3A_9, %get3A_10, %get3A_11] : memref<32x150x4xf32, #tpu.memory_space<vmem>>, vector<1x150x4xf32>
    %get3A_13 = vector.shape_cast %get3A_12 : vector<1x150x4xf32> to vector<150x4xf32>
    %convert_element_type3A_14 = arith.truncf %get3A_13 : vector<150x4xf32> to vector<150x4xbf16>
    %swap3A_15 = arith.constant 0 : index
    %swap3A_16 = arith.constant 0 : index
    %swap3A_17 = vector.load %arg21[%swap3A_15, %swap3A_16] : memref<5120x4xbf16, #tpu.memory_space<vmem>>, vector<150x4xbf16>
    tpu.vector_store %arg21[%swap3A_15, %swap3A_16], %convert_element_type3A_14 {strides = array<i32>} : memref<5120x4xbf16, #tpu.memory_space<vmem>>, vector<150x4xbf16>,
    %get3A_18 = arith.constant 0 : index
    %get3A_19 = arith.constant 0 : index
    %get3A_20 = vector.load %arg3[%get3A_18, %get3A_19] : memref<32x150xi32, #tpu.memory_space<vmem>>, vector<1x150xi32>
    %iota3A = tpu.iota {dimensions = array<i32: 0>} : vector<128x150xi32>
    %eq3A_21 = vector.broadcast %get3A_20 : vector<1x150xi32> to vector<128x150xi32>
    %eq3A_22 = arith.cmpi eq, %eq3A_21, %iota3A : vector<128x150xi32>
    %convert_element_type3A_23 = arith.extui %eq3A_22 : vector<128x150xi1> to vector<128x150xi32>
    %convert_element_type3A_24 = arith.sitofp %convert_element_type3A_23 : vector<128x150xi32> to vector<128x150xf32>
    %convert_element_type3A_25 = arith.truncf %convert_element_type3A_24 : vector<128x150xf32> to vector<128x150xbf16>
    %get3A_26 = arith.constant 0 : index
    %get3A_27 = arith.constant 0 : index
    %get3A_28 = vector.load %arg19[%get3A_26, %get3A_27] : memref<128x256xbf16, #tpu.memory_space<vmem>>, vector<128x256xbf16>
    %dot_general3A = arith.constant dense<0.000000e+00> : vector<150x256xf32>
    %dot_general3A_29 = tpu.matmul %convert_element_type3A_25, %get3A_28, %dot_general3A {dimension_numbers = #tpu.dot_dimension_numbers<[0], [0], [1], [1], [0, 1, 1, 1], [], []>, transpose_lhs_hint = false} : vector<128x150xbf16>, vector<128x256xbf16>, vector<150x256xf32> -> vector<150x256xf32>
    %swap3A_30 = arith.constant 0 : index
    %swap3A_31 = arith.constant 0 : index
    %swap3A_32 = vector.load %arg22[%swap3A_30, %swap3A_31] : memref<5120x256xf32, #tpu.memory_space<vmem>>, vector<150x256xf32>
    tpu.vector_store %arg22[%swap3A_30, %swap3A_31], %dot_general3A_29 {strides = array<i32>} : memref<5120x256xf32, #tpu.memory_space<vmem>>, vector<150x256xf32>,
    %get3A_33 = arith.constant 1 : index
    %get3A_34 = arith.constant 0 : index
    %get3A_35 = arith.constant 0 : index
    %get3A_36 = vector.load %arg1[%get3A_33, %get3A_34, %get3A_35] : memref<32x150x6xf32, #tpu.memory_space<vmem>>, vector<1x150x6xf32>
    %get3A_37 = vector.shape_cast %get3A_36 : vector<1x150x6xf32> to vector<150x6xf32>
    %convert_element_type3A_38 = arith.truncf %get3A_37 : vector<150x6xf32> to vector<150x6xbf16>
    %swap3A_39 = arith.constant 160 : index
    %swap3A_40 = arith.constant 0 : index
    %swap3A_41 = vector.load %arg20[%swap3A_39, %swap3A_40] : memref<5120x6xbf16, #tpu.memory_space<vmem>>, vector<150x6xbf16>
    tpu.vector_store %arg20[%swap3A_39, %swap3A_40], %convert_element_type3A_38 {strides = array<i32>} : memref<5120x6xbf16, #tpu.memory_space<vmem>>, vector<150x6xbf16>,
    %get3A_42 = arith.constant 1 : index
    %get3A_43 = arith.constant 0 : index
    %get3A_44 = arith.constant 0 : index
    %get3A_45 = vector.load %arg2[%get3A_42, %get3A_43, %get3A_44] : memref<32x150x4xf32, #tpu.memory_space<vmem>>, vector<1x150x4xf32>
    %get3A_46 = vector.shape_cast %get3A_45 : vector<1x150x4xf32> to vector<150x4xf32>
    %convert_element_type3A_47 = arith.truncf %get3A_46 : vector<150x4xf32> to vector<150x4xbf16>
    %swap3A_48 = arith.constant 160 : index
    %swap3A_49 = arith.constant 0 : index
    %swap3A_50 = vector.load %arg21[%swap3A_48, %swap3A_49] : memref<5120x4xbf16, #tpu.memory_space<vmem>>, vector<150x4xbf16>
    tpu.vector_store %arg21[%swap3A_48, %swap3A_49], %convert_element_type3A_47 {strides = array<i32>} : memref<5120x4xbf16, #tpu.memory_space<vmem>>, vector<150x4xbf16>,
    %get3A_51 = arith.constant 1 : index
    %get3A_52 = arith.constant 0 : index
    %get3A_53 = vector.load %arg3[%get3A_51, %get3A_52] : memref<32x150xi32, #tpu.memory_space<vmem>>, vector<1x150xi32>
    %iota3A_54 = tpu.iota {dimensions = array<i32: 0>} : vector<128x150xi32>
    %eq3A_55 = vector.broadcast %get3A_53 : vector<1x150xi32> to vector<128x150xi32>
    %eq3A_56 = arith.cmpi eq, %eq3A_55, %iota3A_54 : vector<128x150xi32>
    %convert_element_type3A_57 = arith.extui %eq3A_56 : vector<128x150xi1> to vector<128x150xi32>
    %convert_element_type3A_58 = arith.sitofp %convert_element_type3A_57 : vector<128x150xi32> to vector<128x150xf32>
    %convert_element_type3A_59 = arith.truncf %convert_element_type3A_58 : vector<128x150xf32> to vector<128x150xbf16>
    %get3A_60 = arith.constant 0 : index
    %get3A_61 = arith.constant 0 : index
    %get3A_62 = vector.load %arg19[%get3A_60, %get3A_61] : memref<128x256xbf16, #tpu.memory_space<vmem>>, vector<128x256xbf16>
    %dot_general3A_63 = arith.constant dense<0.000000e+00> : vector<150x256xf32>
    %dot_general3A_64 = tpu.matmul %convert_element_type3A_59, %get3A_62, %dot_general3A_63 {dimension_numbers = #tpu.dot_dimension_numbers<[0], [0], [1], [1], [0, 1, 1, 1], [], []>, transpose_lhs_hint = false} : vector<128x150xbf16>, vector<128x256xbf16>, vector<150x256xf32> -> vector<150x256xf32>
    %swap3A_65 = arith.constant 160 : index
    %swap3A_66 = arith.constant 0 : index
    %swap3A_67 = vector.load %arg22[%swap3A_65, %swap3A_66] : memref<5120x256xf32, #tpu.memory_space<vmem>>, vector<150x256xf32>
    tpu.vector_store %arg22[%swap3A_65, %swap3A_66], %dot_general3A_64 {strides = array<i32>} : memref<5120x256xf32, #tpu.memory_space<vmem>>, vector<150x256xf32>,
    %get3A_68 = arith.constant 2 : index
    %get3A_69 = arith.constant 0 : index
    %get3A_70 = arith.constant 0 : index
    %get3A_71 = vector.load %arg1[%get3A_68, %get3A_69, %get3A_70] : memref<32x150x6xf32, #tpu.memory_space<vmem>>, vector<1x150x6xf32>
    %get3A_72 = vector.shape_cast %get3A_71 : vector<1x150x6xf32> to vector<150x6xf32>
    %convert_element_type3A_73 = arith.truncf %get3A_72 : vector<150x6xf32> to vector<150x6xbf16>
    %swap3A_74 = arith.constant 320 : index
    %swap3A_75 = arith.constant 0 : index
    %swap3A_76 = vector.load %arg20[%swap3A_74, %swap3A_75] : memref<5120x6xbf16, #tpu.memory_space<vmem>>, vector<150x6xbf16>
    tpu.vector_store %arg20[%swap3A_74, %swap3A_75], %convert_element_type3A_73 {strides = array<i32>} : memref<5120x6xbf16, #tpu.memory_space<vmem>>, vector<150x6xbf16>,
    %get3A_77 = arith.constant 2 : index
    %get3A_78 = arith.constant 0 : index
    %get3A_79 = arith.constant 0 : index
    %get3A_80 = vector.load %arg2[%get3A_77, %get3A_78, %get3A_79] : memref<32x150x4xf32, #tpu.memory_space<vmem>>, vector<1x150x4xf32>
    %get3A_81 = vector.shape_cast %get3A_80 : vector<1x150x4xf32> to vector<150x4xf32>
    %convert_element_type3A_82 = arith.truncf %get3A_81 : vector<150x4xf32> to vector<150x4xbf16>
    %swap3A_83 = arith.constant 320 : index
    %swap3A_84 = arith.constant 0 : index
    %swap3A_85 = vector.load %arg21[%swap3A_83, %swap3A_84] : memref<5120x4xbf16, #tpu.memory_space<vmem>>, vector<150x4xbf16>
    tpu.vector_store %arg21[%swap3A_83, %swap3A_84], %convert_element_type3A_82 {strides = array<i32>} : memref<5120x4xbf16, #tpu.memory_space<vmem>>, vector<150x4xbf16>,
    %get3A_86 = arith.constant 2 : index
    %get3A_87 = arith.constant 0 : index
    %get3A_88 = vector.load %arg3[%get3A_86, %get3A_87] : memref<32x150xi32, #tpu.memory_space<vmem>>, vector<1x150xi32>
    %iota3A_89 = tpu.iota {dimensions = array<i32: 0>} : vector<128x150xi32>
    %eq3A_90 = vector.broadcast %get3A_88 : vector<1x150xi32> to vector<128x150xi32>
    %eq3A_91 = arith.cmpi eq, %eq3A_90, %iota3A_89 : vector<128x150xi32>
    %convert_element_type3A_92 = arith.extui %eq3A_91 : vector<128x150xi1> to vector<128x150xi32>
    %convert_element_type3A_93 = arith.sitofp %convert_element_type3A_92 : vector<128x150xi32> to vector<128x150xf32>
    %convert_element_type3A_94 = arith.truncf %convert_element_type3A_93 : vector<128x150xf32> to vector<128x150xbf16>
    %get3A_95 = arith.constant 0 : index
    %get3A_96 = arith.constant 0 : index
    %get3A_97 = vector.load %arg19[%get3A_95, %get3A_96] : memref<128x256xbf16, #tpu.memory_space<vmem>>, vector<128x256xbf16>
    %dot_general3A_98 = arith.constant dense<0.000000e+00> : vector<150x256xf32>
    %dot_general3A_99 = tpu.matmul %convert_element_type3A_94, %get3A_97, %dot_general3A_98 {dimension_numbers = #tpu.dot_dimension_numbers<[0], [0], [1], [1], [0, 1, 1, 1], [], []>, transpose_lhs_hint = false} : vector<128x150xbf16>, vector<128x256xbf16>, vector<150x256xf32> -> vector<150x256xf32>
    %swap3A_100 = arith.constant 320 : index
    %swap3A_101 = arith.constant 0 : index
    %swap3A_102 = vector.load %arg22[%swap3A_100, %swap3A_101] : memref<5120x256xf32, #tpu.memory_space<vmem>>, vector<150x256xf32>
    tpu.vector_store %arg22[%swap3A_100, %swap3A_101], %dot_general3A_99 {strides = array<i32>} : memref<5120x256xf32, #tpu.memory_space<vmem>>, vector<150x256xf32>,
    %get3A_103 = arith.constant 3 : index
    %get3A_104 = arith.constant 0 : index
    %get3A_105 = arith.constant 0 : index
    %get3A_106 = vector.load %arg1[%get3A_103, %get3A_104, %get3A_105] : memref<32x150x6xf32, #tpu.memory_space<vmem>>, vector<1x150x6xf32>
    %get3A_107 = vector.shape_cast %get3A_106 : vector<1x150x6xf32> to vector<150x6xf32>
    %convert_element_type3A_108 = arith.truncf %get3A_107 : vector<150x6xf32> to vector<150x6xbf16>
    %swap3A_109 = arith.constant 480 : index
    %swap3A_110 = arith.constant 0 : index
    %swap3A_111 = vector.load %arg20[%swap3A_109, %swap3A_110] : memref<5120x6xbf16, #tpu.memory_space<vmem>>, vector<150x6xbf16>
    tpu.vector_store %arg20[%swap3A_109, %swap3A_110], %convert_element_type3A_108 {strides = array<i32>} : memref<5120x6xbf16, #tpu.memory_space<vmem>>, vector<150x6xbf16>,
    %get3A_112 = arith.constant 3 : index
    %get3A_113 = arith.constant 0 : index
    %get3A_114 = arith.constant 0 : index
    %get3A_115 = vector.load %arg2[%get3A_112, %get3A_113, %get3A_114] : memref<32x150x4xf32, #tpu.memory_space<vmem>>, vector<1x150x4xf32>
    %get3A_116 = vector.shape_cast %get3A_115 : vector<1x150x4xf32> to vector<150x4xf32>
    %convert_element_type3A_117 = arith.truncf %get3A_116 : vector<150x4xf32> to vector<150x4xbf16>
    %swap3A_118 = arith.constant 480 : index
    %swap3A_119 = arith.constant 0 : index
    %swap3A_120 = vector.load %arg21[%swap3A_118, %swap3A_119] : memref<5120x4xbf16, #tpu.memory_space<vmem>>, vector<150x4xbf16>
    tpu.vector_store %arg21[%swap3A_118, %swap3A_119], %convert_element_type3A_117 {strides = array<i32>} : memref<5120x4xbf16, #tpu.memory_space<vmem>>, vector<150x4xbf16>,
    %get3A_121 = arith.constant 3 : index
    %get3A_122 = arith.constant 0 : index
    %get3A_123 = vector.load %arg3[%get3A_121, %get3A_122] : memref<32x150xi32, #tpu.memory_space<vmem>>, vector<1x150xi32>
    %iota3A_124 = tpu.iota {dimensions = array<i32: 0>} : vector<128x150xi32>
    %eq3A_125 = vector.broadcast %get3A_123 : vector<1x150xi32> to vector<128x150xi32>
    %eq3A_126 = arith.cmpi eq, %eq3A_125, %iota3A_124 : vector<128x150xi32>
    %convert_element_type3A_127 = arith.extui %eq3A_126 : vector<128x150xi1> to vector<128x150xi32>
    %convert_element_type3A_128 = arith.sitofp %convert_element_type3A_127 : vector<128x150xi32> to vector<128x150xf32>
    %convert_element_type3A_129 = arith.truncf %convert_element_type3A_128 : vector<128x150xf32> to vector<128x150xbf16>
    %get3A_130 = arith.constant 0 : index
    %get3A_131 = arith.constant 0 : index
    %get3A_132 = vector.load %arg19[%get3A_130, %get3A_131] : memref<128x256xbf16, #tpu.memory_space<vmem>>, vector<128x256xbf16>
    %dot_general3A_133 = arith.constant dense<0.000000e+00> : vector<150x256xf32>
    %dot_general3A_134 = tpu.matmul %convert_element_type3A_129, %get3A_132, %dot_general3A_133 {dimension_numbers = #tpu.dot_dimension_numbers<[0], [0], [1], [1], [0, 1, 1, 1], [], []>, transpose_lhs_hint = false} : vector<128x150xbf16>, vector<128x256xbf16>, vector<150x256xf32> -> vector<150x256xf32>
    %swap3A_135 = arith.constant 480 : index
    %swap3A_136 = arith.constant 0 : index
    %swap3A_137 = vector.load %arg22[%swap3A_135, %swap3A_136] : memref<5120x256xf32, #tpu.memory_space<vmem>>, vector<150x256xf32>
    tpu.vector_store %arg22[%swap3A_135, %swap3A_136], %dot_general3A_134 {strides = array<i32>} : memref<5120x256xf32, #tpu.memory_space<vmem>>, vector<150x256xf32>,
    %get3A_138 = arith.constant 4 : index
    %get3A_139 = arith.constant 0 : index
    %get3A_140 = arith.constant 0 : index
    %get3A_141 = vector.load %arg1[%get3A_138, %get3A_139, %get3A_140] : memref<32x150x6xf32, #tpu.memory_space<vmem>>, vector<1x150x6xf32>
    %get3A_142 = vector.shape_cast %get3A_141 : vector<1x150x6xf32> to vector<150x6xf32>
    %convert_element_type3A_143 = arith.truncf %get3A_142 : vector<150x6xf32> to vector<150x6xbf16>
    %swap3A_144 = arith.constant 640 : index
    %swap3A_145 = arith.constant 0 : index
    %swap3A_146 = vector.load %arg20[%swap3A_144, %swap3A_145] : memref<5120x6xbf16, #tpu.memory_space<vmem>>, vector<150x6xbf16>
    tpu.vector_store %arg20[%swap3A_144, %swap3A_145], %convert_element_type3A_143 {strides = array<i32>} : memref<5120x6xbf16, #tpu.memory_space<vmem>>, vector<150x6xbf16>,
    %get3A_147 = arith.constant 4 : index
    %get3A_148 = arith.constant 0 : index
    %get3A_149 = arith.constant 0 : index
    %get3A_150 = vector.load %arg2[%get3A_147, %get3A_148, %get3A_149] : memref<32x150x4xf32, #tpu.memory_space<vmem>>, vector<1x150x4xf32>
    %get3A_151 = vector.shape_cast %get3A_150 : vector<1x150x4xf32> to vector<150x4xf32>
    %convert_element_type3A_152 = arith.truncf %get3A_151 : vector<150x4xf32> to vector<150x4xbf16>
    %swap3A_153 = arith.constant 640 : index
    %swap3A_154 = arith.constant 0 : index
    %swap3A_155 = vector.load %arg21[%swap3A_153, %swap3A_154] : memref<5120x4xbf16, #tpu.memory_space<vmem>>, vector<150x4xbf16>
    tpu.vector_store %arg21[%swap3A_153, %swap3A_154], %convert_element_type3A_152 {strides = array<i32>} : memref<5120x4xbf16, #tpu.memory_space<vmem>>, vector<150x4xbf16>,
    %get3A_156 = arith.constant 4 : index
    %get3A_157 = arith.constant 0 : index
    %get3A_158 = vector.load %arg3[%get3A_156, %get3A_157] : memref<32x150xi32, #tpu.memory_space<vmem>>, vector<1x150xi32>
    %iota3A_159 = tpu.iota {dimensions = array<i32: 0>} : vector<128x150xi32>
    %eq3A_160 = vector.broadcast %get3A_158 : vector<1x150xi32> to vector<128x150xi32>
    %eq3A_161 = arith.cmpi eq, %eq3A_160, %iota3A_159 : vector<128x150xi32>
    %convert_element_type3A_162 = arith.extui %eq3A_161 : vector<128x150xi1> to vector<128x150xi32>
    %convert_element_type3A_163 = arith.sitofp %convert_element_type3A_162 : vector<128x150xi32> to vector<128x150xf32>
    %convert_element_type3A_164 = arith.truncf %convert_element_type3A_163 : vector<128x150xf32> to vector<128x150xbf16>
    %get3A_165 = arith.constant 0 : index
    %get3A_166 = arith.constant 0 : index
    %get3A_167 = vector.load %arg19[%get3A_165, %get3A_166] : memref<128x256xbf16, #tpu.memory_space<vmem>>, vector<128x256xbf16>
    %dot_general3A_168 = arith.constant dense<0.000000e+00> : vector<150x256xf32>
    %dot_general3A_169 = tpu.matmul %convert_element_type3A_164, %get3A_167, %dot_general3A_168 {dimension_numbers = #tpu.dot_dimension_numbers<[0], [0], [1], [1], [0, 1, 1, 1], [], []>, transpose_lhs_hint = false} : vector<128x150xbf16>, vector<128x256xbf16>, vector<150x256xf32> -> vector<150x256xf32>
    %swap3A_170 = arith.constant 640 : index
    %swap3A_171 = arith.constant 0 : index
    %swap3A_172 = vector.load %arg22[%swap3A_170, %swap3A_171] : memref<5120x256xf32, #tpu.memory_space<vmem>>, vector<150x256xf32>
    tpu.vector_store %arg22[%swap3A_170, %swap3A_171], %dot_general3A_169 {strides = array<i32>} : memref<5120x256xf32, #tpu.memory_space<vmem>>, vector<150x256xf32>,
    %get3A_173 = arith.constant 5 : index
    %get3A_174 = arith.constant 0 : index
    %get3A_175 = arith.constant 0 : index
    %get3A_176 = vector.load %arg1[%get3A_173, %get3A_174, %get3A_175] : memref<32x150x6xf32, #tpu.memory_space<vmem>>, vector<1x150x6xf32>
    %get3A_177 = vector.shape_cast %get3A_176 : vector<1x150x6xf32> to vector<150x6xf32>
    %convert_element_type3A_178 = arith.truncf %get3A_177 : vector<150x6xf32> to vector<150x6xbf16>
    %swap3A_179 = arith.constant 800 : index
    %swap3A_180 = arith.constant 0 : index
    %swap3A_181 = vector.load %arg20[%swap3A_179, %swap3A_180] : memref<5120x6xbf16, #tpu.memory_space<vmem>>, vector<150x6xbf16>
    tpu.vector_store %arg20[%swap3A_179, %swap3A_180], %convert_element_type3A_178 {strides = array<i32>} : memref<5120x6xbf16, #tpu.memory_space<vmem>>, vector<150x6xbf16>,
    %get3A_182 = arith.constant 5 : index
    %get3A_183 = arith.constant 0 : index
    %get3A_184 = arith.constant 0 : index
    %get3A_185 = vector.load %arg2[%get3A_182, %get3A_183, %get3A_184] : memref<32x150x4xf32, #tpu.memory_space<vmem>>, vector<1x150x4xf32>
    %get3A_186 = vector.shape_cast %get3A_185 : vector<1x150x4xf32> to vector<150x4xf32>
    %convert_element_type3A_187 = arith.truncf %get3A_186 : vector<150x4xf32> to vector<150x4xbf16>
    %swap3A_188 = arith.constant 800 : index
    %swap3A_189 = arith.constant 0 : index
    %swap3A_190 = vector.load %arg21[%swap3A_188, %swap3A_189] : memref<5120x4xbf16, #tpu.memory_space<vmem>>, vector<150x4xbf16>
    tpu.vector_store %arg21[%swap3A_188, %swap3A_189], %convert_element_type3A_187 {strides = array<i32>} : memref<5120x4xbf16, #tpu.memory_space<vmem>>, vector<150x4xbf16>,
    %get3A_191 = arith.constant 5 : index
    %get3A_192 = arith.constant 0 : index
    %get3A_193 = vector.load %arg3[%get3A_191, %get3A_192] : memref<32x150xi32, #tpu.memory_space<vmem>>, vector<1x150xi32>
    %iota3A_194 = tpu.iota {dimensions = array<i32: 0>} : vector<128x150xi32>
    %eq3A_195 = vector.broadcast %get3A_193 : vector<1x150xi32> to vector<128x150xi32>
    %eq3A_196 = arith.cmpi eq, %eq3A_195, %iota3A_194 : vector<128x150xi32>
    %convert_element_type3A_197 = arith.extui %eq3A_196 : vector<128x150xi1> to vector<128x150xi32>
    %convert_element_type3A_198 = arith.sitofp %convert_element_type3A_197 : vector<128x150xi32> to vector<128x150xf32>
    %convert_element_type3A_199 = arith.truncf %convert_element_type3A_198 : vector<128x150xf32> to vector<128x150xbf16>
    %get3A_200 = arith.constant 0 : index
    %get3A_201 = arith.constant 0 : index
    %get3A_202 = vector.load %arg19[%get3A_200, %get3A_201] : memref<128x256xbf16, #tpu.memory_space<vmem>>, vector<128x256xbf16>
    %dot_general3A_203 = arith.constant dense<0.000000e+00> : vector<150x256xf32>
    %dot_general3A_204 = tpu.matmul %convert_element_type3A_199, %get3A_202, %dot_general3A_203 {dimension_numbers = #tpu.dot_dimension_numbers<[0], [0], [1], [1], [0, 1, 1, 1], [], []>, transpose_lhs_hint = false} : vector<128x150xbf16>, vector<128x256xbf16>, vector<150x256xf32> -> vector<150x256xf32>
    %swap3A_205 = arith.constant 800 : index
    %swap3A_206 = arith.constant 0 : index
    %swap3A_207 = vector.load %arg22[%swap3A_205, %swap3A_206] : memref<5120x256xf32, #tpu.memory_space<vmem>>, vector<150x256xf32>
    tpu.vector_store %arg22[%swap3A_205, %swap3A_206], %dot_general3A_204 {strides = array<i32>} : memref<5120x256xf32, #tpu.memory_space<vmem>>, vector<150x256xf32>,
    %get3A_208 = arith.constant 6 : index
    %get3A_209 = arith.constant 0 : index
    %get3A_210 = arith.constant 0 : index
    %get3A_211 = vector.load %arg1[%get3A_208, %get3A_209, %get3A_210] : memref<32x150x6xf32, #tpu.memory_space<vmem>>, vector<1x150x6xf32>
    %get3A_212 = vector.shape_cast %get3A_211 : vector<1x150x6xf32> to vector<150x6xf32>
    %convert_element_type3A_213 = arith.truncf %get3A_212 : vector<150x6xf32> to vector<150x6xbf16>
    %swap3A_214 = arith.constant 960 : index
    %swap3A_215 = arith.constant 0 : index
    %swap3A_216 = vector.load %arg20[%swap3A_214, %swap3A_215] : memref<5120x6xbf16, #tpu.memory_space<vmem>>, vector<150x6xbf16>
    tpu.vector_store %arg20[%swap3A_214, %swap3A_215], %convert_element_type3A_213 {strides = array<i32>} : memref<5120x6xbf16, #tpu.memory_space<vmem>>, vector<150x6xbf16>,
    %get3A_217 = arith.constant 6 : index
    %get3A_218 = arith.constant 0 : index
    %get3A_219 = arith.constant 0 : index
    %get3A_220 = vector.load %arg2[%get3A_217, %get3A_218, %get3A_219] : memref<32x150x4xf32, #tpu.memory_space<vmem>>, vector<1x150x4xf32>
    %get3A_221 = vector.shape_cast %get3A_220 : vector<1x150x4xf32> to vector<150x4xf32>
    %convert_element_type3A_222 = arith.truncf %get3A_221 : vector<150x4xf32> to vector<150x4xbf16>
    %swap3A_223 = arith.constant 960 : index
    %swap3A_224 = arith.constant 0 : index
    %swap3A_225 = vector.load %arg21[%swap3A_223, %swap3A_224] : memref<5120x4xbf16, #tpu.memory_space<vmem>>, vector<150x4xbf16>
    tpu.vector_store %arg21[%swap3A_223, %swap3A_224], %convert_element_type3A_222 {strides = array<i32>} : memref<5120x4xbf16, #tpu.memory_space<vmem>>, vector<150x4xbf16>,
    %get3A_226 = arith.constant 6 : index
    %get3A_227 = arith.constant 0 : index
    %get3A_228 = vector.load %arg3[%get3A_226, %get3A_227] : memref<32x150xi32, #tpu.memory_space<vmem>>, vector<1x150xi32>
    %iota3A_229 = tpu.iota {dimensions = array<i32: 0>} : vector<128x150xi32>
    %eq3A_230 = vector.broadcast %get3A_228 : vector<1x150xi32> to vector<128x150xi32>
    %eq3A_231 = arith.cmpi eq, %eq3A_230, %iota3A_229 : vector<128x150xi32>
    %convert_element_type3A_232 = arith.extui %eq3A_231 : vector<128x150xi1> to vector<128x150xi32>
    %convert_element_type3A_233 = arith.sitofp %convert_element_type3A_232 : vector<128x150xi32> to vector<128x150xf32>
    %convert_element_type3A_234 = arith.truncf %convert_element_type3A_233 : vector<128x150xf32> to vector<128x150xbf16>
    %get3A_235 = arith.constant 0 : index
    %get3A_236 = arith.constant 0 : index
    %get3A_237 = vector.load %arg19[%get3A_235, %get3A_236] : memref<128x256xbf16, #tpu.memory_space<vmem>>, vector<128x256xbf16>
    %dot_general3A_238 = arith.constant dense<0.000000e+00> : vector<150x256xf32>
    %dot_general3A_239 = tpu.matmul %convert_element_type3A_234, %get3A_237, %dot_general3A_238 {dimension_numbers = #tpu.dot_dimension_numbers<[0], [0], [1], [1], [0, 1, 1, 1], [], []>, transpose_lhs_hint = false} : vector<128x150xbf16>, vector<128x256xbf16>, vector<150x256xf32> -> vector<150x256xf32>
    %swap3A_240 = arith.constant 960 : index
    %swap3A_241 = arith.constant 0 : index
    %swap3A_242 = vector.load %arg22[%swap3A_240, %swap3A_241] : memref<5120x256xf32, #tpu.memory_space<vmem>>, vector<150x256xf32>
    tpu.vector_store %arg22[%swap3A_240, %swap3A_241], %dot_general3A_239 {strides = array<i32>} : memref<5120x256xf32, #tpu.memory_space<vmem>>, vector<150x256xf32>,
    %get3A_243 = arith.constant 7 : index
    %get3A_244 = arith.constant 0 : index
    %get3A_245 = arith.constant 0 : index
    %get3A_246 = vector.load %arg1[%get3A_243, %get3A_244, %get3A_245] : memref<32x150x6xf32, #tpu.memory_space<vmem>>, vector<1x150x6xf32>
    %get3A_247 = vector.shape_cast %get3A_246 : vector<1x150x6xf32> to vector<150x6xf32>
    %convert_element_type3A_248 = arith.truncf %get3A_247 : vector<150x6xf32> to vector<150x6xbf16>
    %swap3A_249 = arith.constant 1120 : index
    %swap3A_250 = arith.constant 0 : index
    %swap3A_251 = vector.load %arg20[%swap3A_249, %swap3A_250] : memref<5120x6xbf16, #tpu.memory_space<vmem>>, vector<150x6xbf16>
    tpu.vector_store %arg20[%swap3A_249, %swap3A_250], %convert_element_type3A_248 {strides = array<i32>} : memref<5120x6xbf16, #tpu.memory_space<vmem>>, vector<150x6xbf16>,
    %get3A_252 = arith.constant 7 : index
    %get3A_253 = arith.constant 0 : index
    %get3A_254 = arith.constant 0 : index
    %get3A_255 = vector.load %arg2[%get3A_252, %get3A_253, %get3A_254] : memref<32x150x4xf32, #tpu.memory_space<vmem>>, vector<1x150x4xf32>
    %get3A_256 = vector.shape_cast %get3A_255 : vector<1x150x4xf32> to vector<150x4xf32>
    %convert_element_type3A_257 = arith.truncf %get3A_256 : vector<150x4xf32> to vector<150x4xbf16>
    %swap3A_258 = arith.constant 1120 : index
    %swap3A_259 = arith.constant 0 : index
    %swap3A_260 = vector.load %arg21[%swap3A_258, %swap3A_259] : memref<5120x4xbf16, #tpu.memory_space<vmem>>, vector<150x4xbf16>
    tpu.vector_store %arg21[%swap3A_258, %swap3A_259], %convert_element_type3A_257 {strides = array<i32>} : memref<5120x4xbf16, #tpu.memory_space<vmem>>, vector<150x4xbf16>,
    %get3A_261 = arith.constant 7 : index
    %get3A_262 = arith.constant 0 : index
    %get3A_263 = vector.load %arg3[%get3A_261, %get3A_262] : memref<32x150xi32, #tpu.memory_space<vmem>>, vector<1x150xi32>
    %iota3A_264 = tpu.iota {dimensions = array<i32: 0>} : vector<128x150xi32>
    %eq3A_265 = vector.broadcast %get3A_263 : vector<1x150xi32> to vector<128x150xi32>
    %eq3A_266 = arith.cmpi eq, %eq3A_265, %iota3A_264 : vector<128x150xi32>
    %convert_element_type3A_267 = arith.extui %eq3A_266 : vector<128x150xi1> to vector<128x150xi32>
    %convert_element_type3A_268 = arith.sitofp %convert_element_type3A_267 : vector<128x150xi32> to vector<128x150xf32>
    %convert_element_type3A_269 = arith.truncf %convert_element_type3A_268 : vector<128x150xf32> to vector<128x150xbf16>
    %get3A_270 = arith.constant 0 : index
    %get3A_271 = arith.constant 0 : index
    %get3A_272 = vector.load %arg19[%get3A_270, %get3A_271] : memref<128x256xbf16, #tpu.memory_space<vmem>>, vector<128x256xbf16>
    %dot_general3A_273 = arith.constant dense<0.000000e+00> : vector<150x256xf32>
    %dot_general3A_274 = tpu.matmul %convert_element_type3A_269, %get3A_272, %dot_general3A_273 {dimension_numbers = #tpu.dot_dimension_numbers<[0], [0], [1], [1], [0, 1, 1, 1], [], []>, transpose_lhs_hint = false} : vector<128x150xbf16>, vector<128x256xbf16>, vector<150x256xf32> -> vector<150x256xf32>
    %swap3A_275 = arith.constant 1120 : index
    %swap3A_276 = arith.constant 0 : index
    %swap3A_277 = vector.load %arg22[%swap3A_275, %swap3A_276] : memref<5120x256xf32, #tpu.memory_space<vmem>>, vector<150x256xf32>
    tpu.vector_store %arg22[%swap3A_275, %swap3A_276], %dot_general3A_274 {strides = array<i32>} : memref<5120x256xf32, #tpu.memory_space<vmem>>, vector<150x256xf32>,
    %get3A_278 = arith.constant 8 : index
    %get3A_279 = arith.constant 0 : index
    %get3A_280 = arith.constant 0 : index
    %get3A_281 = vector.load %arg1[%get3A_278, %get3A_279, %get3A_280] : memref<32x150x6xf32, #tpu.memory_space<vmem>>, vector<1x150x6xf32>
    %get3A_282 = vector.shape_cast %get3A_281 : vector<1x150x6xf32> to vector<150x6xf32>
    %convert_element_type3A_283 = arith.truncf %get3A_282 : vector<150x6xf32> to vector<150x6xbf16>
    %swap3A_284 = arith.constant 1280 : index
    %swap3A_285 = arith.constant 0 : index
    %swap3A_286 = vector.load %arg20[%swap3A_284, %swap3A_285] : memref<5120x6xbf16, #tpu.memory_space<vmem>>, vector<150x6xbf16>
    tpu.vector_store %arg20[%swap3A_284, %swap3A_285], %convert_element_type3A_283 {strides = array<i32>} : memref<5120x6xbf16, #tpu.memory_space<vmem>>, vector<150x6xbf16>,
    %get3A_287 = arith.constant 8 : index
    %get3A_288 = arith.constant 0 : index
    %get3A_289 = arith.constant 0 : index
    %get3A_290 = vector.load %arg2[%get3A_287, %get3A_288, %get3A_289] : memref<32x150x4xf32, #tpu.memory_space<vmem>>, vector<1x150x4xf32>
    %get3A_291 = vector.shape_cast %get3A_290 : vector<1x150x4xf32> to vector<150x4xf32>
    %convert_element_type3A_292 = arith.truncf %get3A_291 : vector<150x4xf32> to vector<150x4xbf16>
    %swap3A_293 = arith.constant 1280 : index
    %swap3A_294 = arith.constant 0 : index
    %swap3A_295 = vector.load %arg21[%swap3A_293, %swap3A_294] : memref<5120x4xbf16, #tpu.memory_space<vmem>>, vector<150x4xbf16>
    tpu.vector_store %arg21[%swap3A_293, %swap3A_294], %convert_element_type3A_292 {strides = array<i32>} : memref<5120x4xbf16, #tpu.memory_space<vmem>>, vector<150x4xbf16>,
    %get3A_296 = arith.constant 8 : index
    %get3A_297 = arith.constant 0 : index
    %get3A_298 = vector.load %arg3[%get3A_296, %get3A_297] : memref<32x150xi32, #tpu.memory_space<vmem>>, vector<1x150xi32>
    %iota3A_299 = tpu.iota {dimensions = array<i32: 0>} : vector<128x150xi32>
    %eq3A_300 = vector.broadcast %get3A_298 : vector<1x150xi32> to vector<128x150xi32>
    %eq3A_301 = arith.cmpi eq, %eq3A_300, %iota3A_299 : vector<128x150xi32>
    %convert_element_type3A_302 = arith.extui %eq3A_301 : vector<128x150xi1> to vector<128x150xi32>
    %convert_element_type3A_303 = arith.sitofp %convert_element_type3A_302 : vector<128x150xi32> to vector<128x150xf32>
    %convert_element_type3A_304 = arith.truncf %convert_element_type3A_303 : vector<128x150xf32> to vector<128x150xbf16>
    %get3A_305 = arith.constant 0 : index
    %get3A_306 = arith.constant 0 : index
    %get3A_307 = vector.load %arg19[%get3A_305, %get3A_306] : memref<128x256xbf16, #tpu.memory_space<vmem>>, vector<128x256xbf16>
    %dot_general3A_308 = arith.constant dense<0.000000e+00> : vector<150x256xf32>
    %dot_general3A_309 = tpu.matmul %convert_element_type3A_304, %get3A_307, %dot_general3A_308 {dimension_numbers = #tpu.dot_dimension_numbers<[0], [0], [1], [1], [0, 1, 1, 1], [], []>, transpose_lhs_hint = false} : vector<128x150xbf16>, vector<128x256xbf16>, vector<150x256xf32> -> vector<150x256xf32>
    %swap3A_310 = arith.constant 1280 : index
    %swap3A_311 = arith.constant 0 : index
    %swap3A_312 = vector.load %arg22[%swap3A_310, %swap3A_311] : memref<5120x256xf32, #tpu.memory_space<vmem>>, vector<150x256xf32>
    tpu.vector_store %arg22[%swap3A_310, %swap3A_311], %dot_general3A_309 {strides = array<i32>} : memref<5120x256xf32, #tpu.memory_space<vmem>>, vector<150x256xf32>,
    %get3A_313 = arith.constant 9 : index
    %get3A_314 = arith.constant 0 : index
    %get3A_315 = arith.constant 0 : index
    %get3A_316 = vector.load %arg1[%get3A_313, %get3A_314, %get3A_315] : memref<32x150x6xf32, #tpu.memory_space<vmem>>, vector<1x150x6xf32>
    %get3A_317 = vector.shape_cast %get3A_316 : vector<1x150x6xf32> to vector<150x6xf32>
    %convert_element_type3A_318 = arith.truncf %get3A_317 : vector<150x6xf32> to vector<150x6xbf16>
    %swap3A_319 = arith.constant 1440 : index
    %swap3A_320 = arith.constant 0 : index
    %swap3A_321 = vector.load %arg20[%swap3A_319, %swap3A_320] : memref<5120x6xbf16, #tpu.memory_space<vmem>>, vector<150x6xbf16>
    tpu.vector_store %arg20[%swap3A_319, %swap3A_320], %convert_element_type3A_318 {strides = array<i32>} : memref<5120x6xbf16, #tpu.memory_space<vmem>>, vector<150x6xbf16>,
    %get3A_322 = arith.constant 9 : index
    %get3A_323 = arith.constant 0 : index
    %get3A_324 = arith.constant 0 : index
    %get3A_325 = vector.load %arg2[%get3A_322, %get3A_323, %get3A_324] : memref<32x150x4xf32, #tpu.memory_space<vmem>>, vector<1x150x4xf32>
    %get3A_326 = vector.shape_cast %get3A_325 : vector<1x150x4xf32> to vector<150x4xf32>
    %convert_element_type3A_327 = arith.truncf %get3A_326 : vector<150x4xf32> to vector<150x4xbf16>
    %swap3A_328 = arith.constant 1440 : index
    %swap3A_329 = arith.constant 0 : index
    %swap3A_330 = vector.load %arg21[%swap3A_328, %swap3A_329] : memref<5120x4xbf16, #tpu.memory_space<vmem>>, vector<150x4xbf16>
    tpu.vector_store %arg21[%swap3A_328, %swap3A_329], %convert_element_type3A_327 {strides = array<i32>} : memref<5120x4xbf16, #tpu.memory_space<vmem>>, vector<150x4xbf16>,
    %get3A_331 = arith.constant 9 : index
    %get3A_332 = arith.constant 0 : index
    %get3A_333 = vector.load %arg3[%get3A_331, %get3A_332] : memref<32x150xi32, #tpu.memory_space<vmem>>, vector<1x150xi32>
    %iota3A_334 = tpu.iota {dimensions = array<i32: 0>} : vector<128x150xi32>
    %eq3A_335 = vector.broadcast %get3A_333 : vector<1x150xi32> to vector<128x150xi32>
    %eq3A_336 = arith.cmpi eq, %eq3A_335, %iota3A_334 : vector<128x150xi32>
    %convert_element_type3A_337 = arith.extui %eq3A_336 : vector<128x150xi1> to vector<128x150xi32>
    %convert_element_type3A_338 = arith.sitofp %convert_element_type3A_337 : vector<128x150xi32> to vector<128x150xf32>
    %convert_element_type3A_339 = arith.truncf %convert_element_type3A_338 : vector<128x150xf32> to vector<128x150xbf16>
    %get3A_340 = arith.constant 0 : index
    %get3A_341 = arith.constant 0 : index
    %get3A_342 = vector.load %arg19[%get3A_340, %get3A_341] : memref<128x256xbf16, #tpu.memory_space<vmem>>, vector<128x256xbf16>
    %dot_general3A_343 = arith.constant dense<0.000000e+00> : vector<150x256xf32>
    %dot_general3A_344 = tpu.matmul %convert_element_type3A_339, %get3A_342, %dot_general3A_343 {dimension_numbers = #tpu.dot_dimension_numbers<[0], [0], [1], [1], [0, 1, 1, 1], [], []>, transpose_lhs_hint = false} : vector<128x150xbf16>, vector<128x256xbf16>, vector<150x256xf32> -> vector<150x256xf32>
    %swap3A_345 = arith.constant 1440 : index
    %swap3A_346 = arith.constant 0 : index
    %swap3A_347 = vector.load %arg22[%swap3A_345, %swap3A_346] : memref<5120x256xf32, #tpu.memory_space<vmem>>, vector<150x256xf32>
    tpu.vector_store %arg22[%swap3A_345, %swap3A_346], %dot_general3A_344 {strides = array<i32>} : memref<5120x256xf32, #tpu.memory_space<vmem>>, vector<150x256xf32>,
    %get3A_348 = arith.constant 10 : index
    %get3A_349 = arith.constant 0 : index
    %get3A_350 = arith.constant 0 : index
    %get3A_351 = vector.load %arg1[%get3A_348, %get3A_349, %get3A_350] : memref<32x150x6xf32, #tpu.memory_space<vmem>>, vector<1x150x6xf32>
    %get3A_352 = vector.shape_cast %get3A_351 : vector<1x150x6xf32> to vector<150x6xf32>
    %convert_element_type3A_353 = arith.truncf %get3A_352 : vector<150x6xf32> to vector<150x6xbf16>
    %swap3A_354 = arith.constant 1600 : index
    %swap3A_355 = arith.constant 0 : index
    %swap3A_356 = vector.load %arg20[%swap3A_354, %swap3A_355] : memref<5120x6xbf16, #tpu.memory_space<vmem>>, vector<150x6xbf16>
    tpu.vector_store %arg20[%swap3A_354, %swap3A_355], %convert_element_type3A_353 {strides = array<i32>} : memref<5120x6xbf16, #tpu.memory_space<vmem>>, vector<150x6xbf16>,
    %get3A_357 = arith.constant 10 : index
    %get3A_358 = arith.constant 0 : index
    %get3A_359 = arith.constant 0 : index
    %get3A_360 = vector.load %arg2[%get3A_357, %get3A_358, %get3A_359] : memref<32x150x4xf32, #tpu.memory_space<vmem>>, vector<1x150x4xf32>
    %get3A_361 = vector.shape_cast %get3A_360 : vector<1x150x4xf32> to vector<150x4xf32>
    %convert_element_type3A_362 = arith.truncf %get3A_361 : vector<150x4xf32> to vector<150x4xbf16>
    %swap3A_363 = arith.constant 1600 : index
    %swap3A_364 = arith.constant 0 : index
    %swap3A_365 = vector.load %arg21[%swap3A_363, %swap3A_364] : memref<5120x4xbf16, #tpu.memory_space<vmem>>, vector<150x4xbf16>
    tpu.vector_store %arg21[%swap3A_363, %swap3A_364], %convert_element_type3A_362 {strides = array<i32>} : memref<5120x4xbf16, #tpu.memory_space<vmem>>, vector<150x4xbf16>,
    %get3A_366 = arith.constant 10 : index
    %get3A_367 = arith.constant 0 : index
    %get3A_368 = vector.load %arg3[%get3A_366, %get3A_367] : memref<32x150xi32, #tpu.memory_space<vmem>>, vector<1x150xi32>
    %iota3A_369 = tpu.iota {dimensions = array<i32: 0>} : vector<128x150xi32>
    %eq3A_370 = vector.broadcast %get3A_368 : vector<1x150xi32> to vector<128x150xi32>
    %eq3A_371 = arith.cmpi eq, %eq3A_370, %iota3A_369 : vector<128x150xi32>
    %convert_element_type3A_372 = arith.extui %eq3A_371 : vector<128x150xi1> to vector<128x150xi32>
    %convert_element_type3A_373 = arith.sitofp %convert_element_type3A_372 : vector<128x150xi32> to vector<128x150xf32>
    %convert_element_type3A_374 = arith.truncf %convert_element_type3A_373 : vector<128x150xf32> to vector<128x150xbf16>
    %get3A_375 = arith.constant 0 : index
    %get3A_376 = arith.constant 0 : index
    %get3A_377 = vector.load %arg19[%get3A_375, %get3A_376] : memref<128x256xbf16, #tpu.memory_space<vmem>>, vector<128x256xbf16>
    %dot_general3A_378 = arith.constant dense<0.000000e+00> : vector<150x256xf32>
    %dot_general3A_379 = tpu.matmul %convert_element_type3A_374, %get3A_377, %dot_general3A_378 {dimension_numbers = #tpu.dot_dimension_numbers<[0], [0], [1], [1], [0, 1, 1, 1], [], []>, transpose_lhs_hint = false} : vector<128x150xbf16>, vector<128x256xbf16>, vector<150x256xf32> -> vector<150x256xf32>
    %swap3A_380 = arith.constant 1600 : index
    %swap3A_381 = arith.constant 0 : index
    %swap3A_382 = vector.load %arg22[%swap3A_380, %swap3A_381] : memref<5120x256xf32, #tpu.memory_space<vmem>>, vector<150x256xf32>
    tpu.vector_store %arg22[%swap3A_380, %swap3A_381], %dot_general3A_379 {strides = array<i32>} : memref<5120x256xf32, #tpu.memory_space<vmem>>, vector<150x256xf32>,
    %get3A_383 = arith.constant 11 : index
    %get3A_384 = arith.constant 0 : index
    %get3A_385 = arith.constant 0 : index
    %get3A_386 = vector.load %arg1[%get3A_383, %get3A_384, %get3A_385] : memref<32x150x6xf32, #tpu.memory_space<vmem>>, vector<1x150x6xf32>
    %get3A_387 = vector.shape_cast %get3A_386 : vector<1x150x6xf32> to vector<150x6xf32>
    %convert_element_type3A_388 = arith.truncf %get3A_387 : vector<150x6xf32> to vector<150x6xbf16>
    %swap3A_389 = arith.constant 1760 : index
    %swap3A_390 = arith.constant 0 : index
    %swap3A_391 = vector.load %arg20[%swap3A_389, %swap3A_390] : memref<5120x6xbf16, #tpu.memory_space<vmem>>, vector<150x6xbf16>
    tpu.vector_store %arg20[%swap3A_389, %swap3A_390], %convert_element_type3A_388 {strides = array<i32>} : memref<5120x6xbf16, #tpu.memory_space<vmem>>, vector<150x6xbf16>,
    %get3A_392 = arith.constant 11 : index
    %get3A_393 = arith.constant 0 : index
    %get3A_394 = arith.constant 0 : index
    %get3A_395 = vector.load %arg2[%get3A_392, %get3A_393, %get3A_394] : memref<32x150x4xf32, #tpu.memory_space<vmem>>, vector<1x150x4xf32>
    %get3A_396 = vector.shape_cast %get3A_395 : vector<1x150x4xf32> to vector<150x4xf32>
    %convert_element_type3A_397 = arith.truncf %get3A_396 : vector<150x4xf32> to vector<150x4xbf16>
    %swap3A_398 = arith.constant 1760 : index
    %swap3A_399 = arith.constant 0 : index
    %swap3A_400 = vector.load %arg21[%swap3A_398, %swap3A_399] : memref<5120x4xbf16, #tpu.memory_space<vmem>>, vector<150x4xbf16>
    tpu.vector_store %arg21[%swap3A_398, %swap3A_399], %convert_element_type3A_397 {strides = array<i32>} : memref<5120x4xbf16, #tpu.memory_space<vmem>>, vector<150x4xbf16>,
    %get3A_401 = arith.constant 11 : index
    %get3A_402 = arith.constant 0 : index
    %get3A_403 = vector.load %arg3[%get3A_401, %get3A_402] : memref<32x150xi32, #tpu.memory_space<vmem>>, vector<1x150xi32>
    %iota3A_404 = tpu.iota {dimensions = array<i32: 0>} : vector<128x150xi32>
    %eq3A_405 = vector.broadcast %get3A_403 : vector<1x150xi32> to vector<128x150xi32>
    %eq3A_406 = arith.cmpi eq, %eq3A_405, %iota3A_404 : vector<128x150xi32>
    %convert_element_type3A_407 = arith.extui %eq3A_406 : vector<128x150xi1> to vector<128x150xi32>
    %convert_element_type3A_408 = arith.sitofp %convert_element_type3A_407 : vector<128x150xi32> to vector<128x150xf32>
    %convert_element_type3A_409 = arith.truncf %convert_element_type3A_408 : vector<128x150xf32> to vector<128x150xbf16>
    %get3A_410 = arith.constant 0 : index
    %get3A_411 = arith.constant 0 : index
    %get3A_412 = vector.load %arg19[%get3A_410, %get3A_411] : memref<128x256xbf16, #tpu.memory_space<vmem>>, vector<128x256xbf16>
    %dot_general3A_413 = arith.constant dense<0.000000e+00> : vector<150x256xf32>
    %dot_general3A_414 = tpu.matmul %convert_element_type3A_409, %get3A_412, %dot_general3A_413 {dimension_numbers = #tpu.dot_dimension_numbers<[0], [0], [1], [1], [0, 1, 1, 1], [], []>, transpose_lhs_hint = false} : vector<128x150xbf16>, vector<128x256xbf16>, vector<150x256xf32> -> vector<150x256xf32>
    %swap3A_415 = arith.constant 1760 : index
    %swap3A_416 = arith.constant 0 : index
    %swap3A_417 = vector.load %arg22[%swap3A_415, %swap3A_416] : memref<5120x256xf32, #tpu.memory_space<vmem>>, vector<150x256xf32>
    tpu.vector_store %arg22[%swap3A_415, %swap3A_416], %dot_general3A_414 {strides = array<i32>} : memref<5120x256xf32, #tpu.memory_space<vmem>>, vector<150x256xf32>,
    %get3A_418 = arith.constant 12 : index
    %get3A_419 = arith.constant 0 : index
    %get3A_420 = arith.constant 0 : index
    %get3A_421 = vector.load %arg1[%get3A_418, %get3A_419, %get3A_420] : memref<32x150x6xf32, #tpu.memory_space<vmem>>, vector<1x150x6xf32>
    %get3A_422 = vector.shape_cast %get3A_421 : vector<1x150x6xf32> to vector<150x6xf32>
    %convert_element_type3A_423 = arith.truncf %get3A_422 : vector<150x6xf32> to vector<150x6xbf16>
    %swap3A_424 = arith.constant 1920 : index
    %swap3A_425 = arith.constant 0 : index
    %swap3A_426 = vector.load %arg20[%swap3A_424, %swap3A_425] : memref<5120x6xbf16, #tpu.memory_space<vmem>>, vector<150x6xbf16>
    tpu.vector_store %arg20[%swap3A_424, %swap3A_425], %convert_element_type3A_423 {strides = array<i32>} : memref<5120x6xbf16, #tpu.memory_space<vmem>>, vector<150x6xbf16>,
    %get3A_427 = arith.constant 12 : index
    %get3A_428 = arith.constant 0 : index
    %get3A_429 = arith.constant 0 : index
    %get3A_430 = vector.load %arg2[%get3A_427, %get3A_428, %get3A_429] : memref<32x150x4xf32, #tpu.memory_space<vmem>>, vector<1x150x4xf32>
    %get3A_431 = vector.shape_cast %get3A_430 : vector<1x150x4xf32> to vector<150x4xf32>
    %convert_element_type3A_432 = arith.truncf %get3A_431 : vector<150x4xf32> to vector<150x4xbf16>
    %swap3A_433 = arith.constant 1920 : index
    %swap3A_434 = arith.constant 0 : index
    %swap3A_435 = vector.load %arg21[%swap3A_433, %swap3A_434] : memref<5120x4xbf16, #tpu.memory_space<vmem>>, vector<150x4xbf16>
    tpu.vector_store %arg21[%swap3A_433, %swap3A_434], %convert_element_type3A_432 {strides = array<i32>} : memref<5120x4xbf16, #tpu.memory_space<vmem>>, vector<150x4xbf16>,
    %get3A_436 = arith.constant 12 : index
    %get3A_437 = arith.constant 0 : index
    %get3A_438 = vector.load %arg3[%get3A_436, %get3A_437] : memref<32x150xi32, #tpu.memory_space<vmem>>, vector<1x150xi32>
    %iota3A_439 = tpu.iota {dimensions = array<i32: 0>} : vector<128x150xi32>
    %eq3A_440 = vector.broadcast %get3A_438 : vector<1x150xi32> to vector<128x150xi32>
    %eq3A_441 = arith.cmpi eq, %eq3A_440, %iota3A_439 : vector<128x150xi32>
    %convert_element_type3A_442 = arith.extui %eq3A_441 : vector<128x150xi1> to vector<128x150xi32>
    %convert_element_type3A_443 = arith.sitofp %convert_element_type3A_442 : vector<128x150xi32> to vector<128x150xf32>
    %convert_element_type3A_444 = arith.truncf %convert_element_type3A_443 : vector<128x150xf32> to vector<128x150xbf16>
    %get3A_445 = arith.constant 0 : index
    %get3A_446 = arith.constant 0 : index
    %get3A_447 = vector.load %arg19[%get3A_445, %get3A_446] : memref<128x256xbf16, #tpu.memory_space<vmem>>, vector<128x256xbf16>
    %dot_general3A_448 = arith.constant dense<0.000000e+00> : vector<150x256xf32>
    %dot_general3A_449 = tpu.matmul %convert_element_type3A_444, %get3A_447, %dot_general3A_448 {dimension_numbers = #tpu.dot_dimension_numbers<[0], [0], [1], [1], [0, 1, 1, 1], [], []>, transpose_lhs_hint = false} : vector<128x150xbf16>, vector<128x256xbf16>, vector<150x256xf32> -> vector<150x256xf32>
    %swap3A_450 = arith.constant 1920 : index
    %swap3A_451 = arith.constant 0 : index
    %swap3A_452 = vector.load %arg22[%swap3A_450, %swap3A_451] : memref<5120x256xf32, #tpu.memory_space<vmem>>, vector<150x256xf32>
    tpu.vector_store %arg22[%swap3A_450, %swap3A_451], %dot_general3A_449 {strides = array<i32>} : memref<5120x256xf32, #tpu.memory_space<vmem>>, vector<150x256xf32>,
    %get3A_453 = arith.constant 13 : index
    %get3A_454 = arith.constant 0 : index
    %get3A_455 = arith.constant 0 : index
    %get3A_456 = vector.load %arg1[%get3A_453, %get3A_454, %get3A_455] : memref<32x150x6xf32, #tpu.memory_space<vmem>>, vector<1x150x6xf32>
    %get3A_457 = vector.shape_cast %get3A_456 : vector<1x150x6xf32> to vector<150x6xf32>
    %convert_element_type3A_458 = arith.truncf %get3A_457 : vector<150x6xf32> to vector<150x6xbf16>
    %swap3A_459 = arith.constant 2080 : index
    %swap3A_460 = arith.constant 0 : index
    %swap3A_461 = vector.load %arg20[%swap3A_459, %swap3A_460] : memref<5120x6xbf16, #tpu.memory_space<vmem>>, vector<150x6xbf16>
    tpu.vector_store %arg20[%swap3A_459, %swap3A_460], %convert_element_type3A_458 {strides = array<i32>} : memref<5120x6xbf16, #tpu.memory_space<vmem>>, vector<150x6xbf16>,
    %get3A_462 = arith.constant 13 : index
    %get3A_463 = arith.constant 0 : index
    %get3A_464 = arith.constant 0 : index
    %get3A_465 = vector.load %arg2[%get3A_462, %get3A_463, %get3A_464] : memref<32x150x4xf32, #tpu.memory_space<vmem>>, vector<1x150x4xf32>
    %get3A_466 = vector.shape_cast %get3A_465 : vector<1x150x4xf32> to vector<150x4xf32>
    %convert_element_type3A_467 = arith.truncf %get3A_466 : vector<150x4xf32> to vector<150x4xbf16>
    %swap3A_468 = arith.constant 2080 : index
    %swap3A_469 = arith.constant 0 : index
    %swap3A_470 = vector.load %arg21[%swap3A_468, %swap3A_469] : memref<5120x4xbf16, #tpu.memory_space<vmem>>, vector<150x4xbf16>
    tpu.vector_store %arg21[%swap3A_468, %swap3A_469], %convert_element_type3A_467 {strides = array<i32>} : memref<5120x4xbf16, #tpu.memory_space<vmem>>, vector<150x4xbf16>,
    %get3A_471 = arith.constant 13 : index
    %get3A_472 = arith.constant 0 : index
    %get3A_473 = vector.load %arg3[%get3A_471, %get3A_472] : memref<32x150xi32, #tpu.memory_space<vmem>>, vector<1x150xi32>
    %iota3A_474 = tpu.iota {dimensions = array<i32: 0>} : vector<128x150xi32>
    %eq3A_475 = vector.broadcast %get3A_473 : vector<1x150xi32> to vector<128x150xi32>
    %eq3A_476 = arith.cmpi eq, %eq3A_475, %iota3A_474 : vector<128x150xi32>
    %convert_element_type3A_477 = arith.extui %eq3A_476 : vector<128x150xi1> to vector<128x150xi32>
    %convert_element_type3A_478 = arith.sitofp %convert_element_type3A_477 : vector<128x150xi32> to vector<128x150xf32>
    %convert_element_type3A_479 = arith.truncf %convert_element_type3A_478 : vector<128x150xf32> to vector<128x150xbf16>
    %get3A_480 = arith.constant 0 : index
    %get3A_481 = arith.constant 0 : index
    %get3A_482 = vector.load %arg19[%get3A_480, %get3A_481] : memref<128x256xbf16, #tpu.memory_space<vmem>>, vector<128x256xbf16>
    %dot_general3A_483 = arith.constant dense<0.000000e+00> : vector<150x256xf32>
    %dot_general3A_484 = tpu.matmul %convert_element_type3A_479, %get3A_482, %dot_general3A_483 {dimension_numbers = #tpu.dot_dimension_numbers<[0], [0], [1], [1], [0, 1, 1, 1], [], []>, transpose_lhs_hint = false} : vector<128x150xbf16>, vector<128x256xbf16>, vector<150x256xf32> -> vector<150x256xf32>
    %swap3A_485 = arith.constant 2080 : index
    %swap3A_486 = arith.constant 0 : index
    %swap3A_487 = vector.load %arg22[%swap3A_485, %swap3A_486] : memref<5120x256xf32, #tpu.memory_space<vmem>>, vector<150x256xf32>
    tpu.vector_store %arg22[%swap3A_485, %swap3A_486], %dot_general3A_484 {strides = array<i32>} : memref<5120x256xf32, #tpu.memory_space<vmem>>, vector<150x256xf32>,
    %get3A_488 = arith.constant 14 : index
    %get3A_489 = arith.constant 0 : index
    %get3A_490 = arith.constant 0 : index
    %get3A_491 = vector.load %arg1[%get3A_488, %get3A_489, %get3A_490] : memref<32x150x6xf32, #tpu.memory_space<vmem>>, vector<1x150x6xf32>
    %get3A_492 = vector.shape_cast %get3A_491 : vector<1x150x6xf32> to vector<150x6xf32>
    %convert_element_type3A_493 = arith.truncf %get3A_492 : vector<150x6xf32> to vector<150x6xbf16>
    %swap3A_494 = arith.constant 2240 : index
    %swap3A_495 = arith.constant 0 : index
    %swap3A_496 = vector.load %arg20[%swap3A_494, %swap3A_495] : memref<5120x6xbf16, #tpu.memory_space<vmem>>, vector<150x6xbf16>
    tpu.vector_store %arg20[%swap3A_494, %swap3A_495], %convert_element_type3A_493 {strides = array<i32>} : memref<5120x6xbf16, #tpu.memory_space<vmem>>, vector<150x6xbf16>,
    %get3A_497 = arith.constant 14 : index
    %get3A_498 = arith.constant 0 : index
    %get3A_499 = arith.constant 0 : index
    %get3A_500 = vector.load %arg2[%get3A_497, %get3A_498, %get3A_499] : memref<32x150x4xf32, #tpu.memory_space<vmem>>, vector<1x150x4xf32>
    %get3A_501 = vector.shape_cast %get3A_500 : vector<1x150x4xf32> to vector<150x4xf32>
    %convert_element_type3A_502 = arith.truncf %get3A_501 : vector<150x4xf32> to vector<150x4xbf16>
    %swap3A_503 = arith.constant 2240 : index
    %swap3A_504 = arith.constant 0 : index
    %swap3A_505 = vector.load %arg21[%swap3A_503, %swap3A_504] : memref<5120x4xbf16, #tpu.memory_space<vmem>>, vector<150x4xbf16>
    tpu.vector_store %arg21[%swap3A_503, %swap3A_504], %convert_element_type3A_502 {strides = array<i32>} : memref<5120x4xbf16, #tpu.memory_space<vmem>>, vector<150x4xbf16>,
    %get3A_506 = arith.constant 14 : index
    %get3A_507 = arith.constant 0 : index
    %get3A_508 = vector.load %arg3[%get3A_506, %get3A_507] : memref<32x150xi32, #tpu.memory_space<vmem>>, vector<1x150xi32>
    %iota3A_509 = tpu.iota {dimensions = array<i32: 0>} : vector<128x150xi32>
    %eq3A_510 = vector.broadcast %get3A_508 : vector<1x150xi32> to vector<128x150xi32>
    %eq3A_511 = arith.cmpi eq, %eq3A_510, %iota3A_509 : vector<128x150xi32>
    %convert_element_type3A_512 = arith.extui %eq3A_511 : vector<128x150xi1> to vector<128x150xi32>
    %convert_element_type3A_513 = arith.sitofp %convert_element_type3A_512 : vector<128x150xi32> to vector<128x150xf32>
    %convert_element_type3A_514 = arith.truncf %convert_element_type3A_513 : vector<128x150xf32> to vector<128x150xbf16>
    %get3A_515 = arith.constant 0 : index
    %get3A_516 = arith.constant 0 : index
    %get3A_517 = vector.load %arg19[%get3A_515, %get3A_516] : memref<128x256xbf16, #tpu.memory_space<vmem>>, vector<128x256xbf16>
    %dot_general3A_518 = arith.constant dense<0.000000e+00> : vector<150x256xf32>
    %dot_general3A_519 = tpu.matmul %convert_element_type3A_514, %get3A_517, %dot_general3A_518 {dimension_numbers = #tpu.dot_dimension_numbers<[0], [0], [1], [1], [0, 1, 1, 1], [], []>, transpose_lhs_hint = false} : vector<128x150xbf16>, vector<128x256xbf16>, vector<150x256xf32> -> vector<150x256xf32>
    %swap3A_520 = arith.constant 2240 : index
    %swap3A_521 = arith.constant 0 : index
    %swap3A_522 = vector.load %arg22[%swap3A_520, %swap3A_521] : memref<5120x256xf32, #tpu.memory_space<vmem>>, vector<150x256xf32>
    tpu.vector_store %arg22[%swap3A_520, %swap3A_521], %dot_general3A_519 {strides = array<i32>} : memref<5120x256xf32, #tpu.memory_space<vmem>>, vector<150x256xf32>,
    %get3A_523 = arith.constant 15 : index
    %get3A_524 = arith.constant 0 : index
    %get3A_525 = arith.constant 0 : index
    %get3A_526 = vector.load %arg1[%get3A_523, %get3A_524, %get3A_525] : memref<32x150x6xf32, #tpu.memory_space<vmem>>, vector<1x150x6xf32>
    %get3A_527 = vector.shape_cast %get3A_526 : vector<1x150x6xf32> to vector<150x6xf32>
    %convert_element_type3A_528 = arith.truncf %get3A_527 : vector<150x6xf32> to vector<150x6xbf16>
    %swap3A_529 = arith.constant 2400 : index
    %swap3A_530 = arith.constant 0 : index
    %swap3A_531 = vector.load %arg20[%swap3A_529, %swap3A_530] : memref<5120x6xbf16, #tpu.memory_space<vmem>>, vector<150x6xbf16>
    tpu.vector_store %arg20[%swap3A_529, %swap3A_530], %convert_element_type3A_528 {strides = array<i32>} : memref<5120x6xbf16, #tpu.memory_space<vmem>>, vector<150x6xbf16>,
    %get3A_532 = arith.constant 15 : index
    %get3A_533 = arith.constant 0 : index
    %get3A_534 = arith.constant 0 : index
    %get3A_535 = vector.load %arg2[%get3A_532, %get3A_533, %get3A_534] : memref<32x150x4xf32, #tpu.memory_space<vmem>>, vector<1x150x4xf32>
    %get3A_536 = vector.shape_cast %get3A_535 : vector<1x150x4xf32> to vector<150x4xf32>
    %convert_element_type3A_537 = arith.truncf %get3A_536 : vector<150x4xf32> to vector<150x4xbf16>
    %swap3A_538 = arith.constant 2400 : index
    %swap3A_539 = arith.constant 0 : index
    %swap3A_540 = vector.load %arg21[%swap3A_538, %swap3A_539] : memref<5120x4xbf16, #tpu.memory_space<vmem>>, vector<150x4xbf16>
    tpu.vector_store %arg21[%swap3A_538, %swap3A_539], %convert_element_type3A_537 {strides = array<i32>} : memref<5120x4xbf16, #tpu.memory_space<vmem>>, vector<150x4xbf16>,
    %get3A_541 = arith.constant 15 : index
    %get3A_542 = arith.constant 0 : index
    %get3A_543 = vector.load %arg3[%get3A_541, %get3A_542] : memref<32x150xi32, #tpu.memory_space<vmem>>, vector<1x150xi32>
    %iota3A_544 = tpu.iota {dimensions = array<i32: 0>} : vector<128x150xi32>
    %eq3A_545 = vector.broadcast %get3A_543 : vector<1x150xi32> to vector<128x150xi32>
    %eq3A_546 = arith.cmpi eq, %eq3A_545, %iota3A_544 : vector<128x150xi32>
    %convert_element_type3A_547 = arith.extui %eq3A_546 : vector<128x150xi1> to vector<128x150xi32>
    %convert_element_type3A_548 = arith.sitofp %convert_element_type3A_547 : vector<128x150xi32> to vector<128x150xf32>
    %convert_element_type3A_549 = arith.truncf %convert_element_type3A_548 : vector<128x150xf32> to vector<128x150xbf16>
    %get3A_550 = arith.constant 0 : index
    %get3A_551 = arith.constant 0 : index
    %get3A_552 = vector.load %arg19[%get3A_550, %get3A_551] : memref<128x256xbf16, #tpu.memory_space<vmem>>, vector<128x256xbf16>
    %dot_general3A_553 = arith.constant dense<0.000000e+00> : vector<150x256xf32>
    %dot_general3A_554 = tpu.matmul %convert_element_type3A_549, %get3A_552, %dot_general3A_553 {dimension_numbers = #tpu.dot_dimension_numbers<[0], [0], [1], [1], [0, 1, 1, 1], [], []>, transpose_lhs_hint = false} : vector<128x150xbf16>, vector<128x256xbf16>, vector<150x256xf32> -> vector<150x256xf32>
    %swap3A_555 = arith.constant 2400 : index
    %swap3A_556 = arith.constant 0 : index
    %swap3A_557 = vector.load %arg22[%swap3A_555, %swap3A_556] : memref<5120x256xf32, #tpu.memory_space<vmem>>, vector<150x256xf32>
    tpu.vector_store %arg22[%swap3A_555, %swap3A_556], %dot_general3A_554 {strides = array<i32>} : memref<5120x256xf32, #tpu.memory_space<vmem>>, vector<150x256xf32>,
    %get3A_558 = arith.constant 16 : index
    %get3A_559 = arith.constant 0 : index
    %get3A_560 = arith.constant 0 : index
    %get3A_561 = vector.load %arg1[%get3A_558, %get3A_559, %get3A_560] : memref<32x150x6xf32, #tpu.memory_space<vmem>>, vector<1x150x6xf32>
    %get3A_562 = vector.shape_cast %get3A_561 : vector<1x150x6xf32> to vector<150x6xf32>
    %convert_element_type3A_563 = arith.truncf %get3A_562 : vector<150x6xf32> to vector<150x6xbf16>
    %swap3A_564 = arith.constant 2560 : index
    %swap3A_565 = arith.constant 0 : index
    %swap3A_566 = vector.load %arg20[%swap3A_564, %swap3A_565] : memref<5120x6xbf16, #tpu.memory_space<vmem>>, vector<150x6xbf16>
    tpu.vector_store %arg20[%swap3A_564, %swap3A_565], %convert_element_type3A_563 {strides = array<i32>} : memref<5120x6xbf16, #tpu.memory_space<vmem>>, vector<150x6xbf16>,
    %get3A_567 = arith.constant 16 : index
    %get3A_568 = arith.constant 0 : index
    %get3A_569 = arith.constant 0 : index
    %get3A_570 = vector.load %arg2[%get3A_567, %get3A_568, %get3A_569] : memref<32x150x4xf32, #tpu.memory_space<vmem>>, vector<1x150x4xf32>
    %get3A_571 = vector.shape_cast %get3A_570 : vector<1x150x4xf32> to vector<150x4xf32>
    %convert_element_type3A_572 = arith.truncf %get3A_571 : vector<150x4xf32> to vector<150x4xbf16>
    %swap3A_573 = arith.constant 2560 : index
    %swap3A_574 = arith.constant 0 : index
    %swap3A_575 = vector.load %arg21[%swap3A_573, %swap3A_574] : memref<5120x4xbf16, #tpu.memory_space<vmem>>, vector<150x4xbf16>
    tpu.vector_store %arg21[%swap3A_573, %swap3A_574], %convert_element_type3A_572 {strides = array<i32>} : memref<5120x4xbf16, #tpu.memory_space<vmem>>, vector<150x4xbf16>,
    %get3A_576 = arith.constant 16 : index
    %get3A_577 = arith.constant 0 : index
    %get3A_578 = vector.load %arg3[%get3A_576, %get3A_577] : memref<32x150xi32, #tpu.memory_space<vmem>>, vector<1x150xi32>
    %iota3A_579 = tpu.iota {dimensions = array<i32: 0>} : vector<128x150xi32>
    %eq3A_580 = vector.broadcast %get3A_578 : vector<1x150xi32> to vector<128x150xi32>
    %eq3A_581 = arith.cmpi eq, %eq3A_580, %iota3A_579 : vector<128x150xi32>
    %convert_element_type3A_582 = arith.extui %eq3A_581 : vector<128x150xi1> to vector<128x150xi32>
    %convert_element_type3A_583 = arith.sitofp %convert_element_type3A_582 : vector<128x150xi32> to vector<128x150xf32>
    %convert_element_type3A_584 = arith.truncf %convert_element_type3A_583 : vector<128x150xf32> to vector<128x150xbf16>
    %get3A_585 = arith.constant 0 : index
    %get3A_586 = arith.constant 0 : index
    %get3A_587 = vector.load %arg19[%get3A_585, %get3A_586] : memref<128x256xbf16, #tpu.memory_space<vmem>>, vector<128x256xbf16>
    %dot_general3A_588 = arith.constant dense<0.000000e+00> : vector<150x256xf32>
    %dot_general3A_589 = tpu.matmul %convert_element_type3A_584, %get3A_587, %dot_general3A_588 {dimension_numbers = #tpu.dot_dimension_numbers<[0], [0], [1], [1], [0, 1, 1, 1], [], []>, transpose_lhs_hint = false} : vector<128x150xbf16>, vector<128x256xbf16>, vector<150x256xf32> -> vector<150x256xf32>
    %swap3A_590 = arith.constant 2560 : index
    %swap3A_591 = arith.constant 0 : index
    %swap3A_592 = vector.load %arg22[%swap3A_590, %swap3A_591] : memref<5120x256xf32, #tpu.memory_space<vmem>>, vector<150x256xf32>
    tpu.vector_store %arg22[%swap3A_590, %swap3A_591], %dot_general3A_589 {strides = array<i32>} : memref<5120x256xf32, #tpu.memory_space<vmem>>, vector<150x256xf32>,
    %get3A_593 = arith.constant 17 : index
    %get3A_594 = arith.constant 0 : index
    %get3A_595 = arith.constant 0 : index
    %get3A_596 = vector.load %arg1[%get3A_593, %get3A_594, %get3A_595] : memref<32x150x6xf32, #tpu.memory_space<vmem>>, vector<1x150x6xf32>
    %get3A_597 = vector.shape_cast %get3A_596 : vector<1x150x6xf32> to vector<150x6xf32>
    %convert_element_type3A_598 = arith.truncf %get3A_597 : vector<150x6xf32> to vector<150x6xbf16>
    %swap3A_599 = arith.constant 2720 : index
    %swap3A_600 = arith.constant 0 : index
    %swap3A_601 = vector.load %arg20[%swap3A_599, %swap3A_600] : memref<5120x6xbf16, #tpu.memory_space<vmem>>, vector<150x6xbf16>
    tpu.vector_store %arg20[%swap3A_599, %swap3A_600], %convert_element_type3A_598 {strides = array<i32>} : memref<5120x6xbf16, #tpu.memory_space<vmem>>, vector<150x6xbf16>,
    %get3A_602 = arith.constant 17 : index
    %get3A_603 = arith.constant 0 : index
    %get3A_604 = arith.constant 0 : index
    %get3A_605 = vector.load %arg2[%get3A_602, %get3A_603, %get3A_604] : memref<32x150x4xf32, #tpu.memory_space<vmem>>, vector<1x150x4xf32>
    %get3A_606 = vector.shape_cast %get3A_605 : vector<1x150x4xf32> to vector<150x4xf32>
    %convert_element_type3A_607 = arith.truncf %get3A_606 : vector<150x4xf32> to vector<150x4xbf16>
    %swap3A_608 = arith.constant 2720 : index
    %swap3A_609 = arith.constant 0 : index
    %swap3A_610 = vector.load %arg21[%swap3A_608, %swap3A_609] : memref<5120x4xbf16, #tpu.memory_space<vmem>>, vector<150x4xbf16>
    tpu.vector_store %arg21[%swap3A_608, %swap3A_609], %convert_element_type3A_607 {strides = array<i32>} : memref<5120x4xbf16, #tpu.memory_space<vmem>>, vector<150x4xbf16>,
    %get3A_611 = arith.constant 17 : index
    %get3A_612 = arith.constant 0 : index
    %get3A_613 = vector.load %arg3[%get3A_611, %get3A_612] : memref<32x150xi32, #tpu.memory_space<vmem>>, vector<1x150xi32>
    %iota3A_614 = tpu.iota {dimensions = array<i32: 0>} : vector<128x150xi32>
    %eq3A_615 = vector.broadcast %get3A_613 : vector<1x150xi32> to vector<128x150xi32>
    %eq3A_616 = arith.cmpi eq, %eq3A_615, %iota3A_614 : vector<128x150xi32>
    %convert_element_type3A_617 = arith.extui %eq3A_616 : vector<128x150xi1> to vector<128x150xi32>
    %convert_element_type3A_618 = arith.sitofp %convert_element_type3A_617 : vector<128x150xi32> to vector<128x150xf32>
    %convert_element_type3A_619 = arith.truncf %convert_element_type3A_618 : vector<128x150xf32> to vector<128x150xbf16>
    %get3A_620 = arith.constant 0 : index
    %get3A_621 = arith.constant 0 : index
    %get3A_622 = vector.load %arg19[%get3A_620, %get3A_621] : memref<128x256xbf16, #tpu.memory_space<vmem>>, vector<128x256xbf16>
    %dot_general3A_623 = arith.constant dense<0.000000e+00> : vector<150x256xf32>
    %dot_general3A_624 = tpu.matmul %convert_element_type3A_619, %get3A_622, %dot_general3A_623 {dimension_numbers = #tpu.dot_dimension_numbers<[0], [0], [1], [1], [0, 1, 1, 1], [], []>, transpose_lhs_hint = false} : vector<128x150xbf16>, vector<128x256xbf16>, vector<150x256xf32> -> vector<150x256xf32>
    %swap3A_625 = arith.constant 2720 : index
    %swap3A_626 = arith.constant 0 : index
    %swap3A_627 = vector.load %arg22[%swap3A_625, %swap3A_626] : memref<5120x256xf32, #tpu.memory_space<vmem>>, vector<150x256xf32>
    tpu.vector_store %arg22[%swap3A_625, %swap3A_626], %dot_general3A_624 {strides = array<i32>} : memref<5120x256xf32, #tpu.memory_space<vmem>>, vector<150x256xf32>,
    %get3A_628 = arith.constant 18 : index
    %get3A_629 = arith.constant 0 : index
    %get3A_630 = arith.constant 0 : index
    %get3A_631 = vector.load %arg1[%get3A_628, %get3A_629, %get3A_630] : memref<32x150x6xf32, #tpu.memory_space<vmem>>, vector<1x150x6xf32>
    %get3A_632 = vector.shape_cast %get3A_631 : vector<1x150x6xf32> to vector<150x6xf32>
    %convert_element_type3A_633 = arith.truncf %get3A_632 : vector<150x6xf32> to vector<150x6xbf16>
    %swap3A_634 = arith.constant 2880 : index
    %swap3A_635 = arith.constant 0 : index
    %swap3A_636 = vector.load %arg20[%swap3A_634, %swap3A_635] : memref<5120x6xbf16, #tpu.memory_space<vmem>>, vector<150x6xbf16>
    tpu.vector_store %arg20[%swap3A_634, %swap3A_635], %convert_element_type3A_633 {strides = array<i32>} : memref<5120x6xbf16, #tpu.memory_space<vmem>>, vector<150x6xbf16>,
    %get3A_637 = arith.constant 18 : index
    %get3A_638 = arith.constant 0 : index
    %get3A_639 = arith.constant 0 : index
    %get3A_640 = vector.load %arg2[%get3A_637, %get3A_638, %get3A_639] : memref<32x150x4xf32, #tpu.memory_space<vmem>>, vector<1x150x4xf32>
    %get3A_641 = vector.shape_cast %get3A_640 : vector<1x150x4xf32> to vector<150x4xf32>
    %convert_element_type3A_642 = arith.truncf %get3A_641 : vector<150x4xf32> to vector<150x4xbf16>
    %swap3A_643 = arith.constant 2880 : index
    %swap3A_644 = arith.constant 0 : index
    %swap3A_645 = vector.load %arg21[%swap3A_643, %swap3A_644] : memref<5120x4xbf16, #tpu.memory_space<vmem>>, vector<150x4xbf16>
    tpu.vector_store %arg21[%swap3A_643, %swap3A_644], %convert_element_type3A_642 {strides = array<i32>} : memref<5120x4xbf16, #tpu.memory_space<vmem>>, vector<150x4xbf16>,
    %get3A_646 = arith.constant 18 : index
    %get3A_647 = arith.constant 0 : index
    %get3A_648 = vector.load %arg3[%get3A_646, %get3A_647] : memref<32x150xi32, #tpu.memory_space<vmem>>, vector<1x150xi32>
    %iota3A_649 = tpu.iota {dimensions = array<i32: 0>} : vector<128x150xi32>
    %eq3A_650 = vector.broadcast %get3A_648 : vector<1x150xi32> to vector<128x150xi32>
    %eq3A_651 = arith.cmpi eq, %eq3A_650, %iota3A_649 : vector<128x150xi32>
    %convert_element_type3A_652 = arith.extui %eq3A_651 : vector<128x150xi1> to vector<128x150xi32>
    %convert_element_type3A_653 = arith.sitofp %convert_element_type3A_652 : vector<128x150xi32> to vector<128x150xf32>
    %convert_element_type3A_654 = arith.truncf %convert_element_type3A_653 : vector<128x150xf32> to vector<128x150xbf16>
    %get3A_655 = arith.constant 0 : index
    %get3A_656 = arith.constant 0 : index
    %get3A_657 = vector.load %arg19[%get3A_655, %get3A_656] : memref<128x256xbf16, #tpu.memory_space<vmem>>, vector<128x256xbf16>
    %dot_general3A_658 = arith.constant dense<0.000000e+00> : vector<150x256xf32>
    %dot_general3A_659 = tpu.matmul %convert_element_type3A_654, %get3A_657, %dot_general3A_658 {dimension_numbers = #tpu.dot_dimension_numbers<[0], [0], [1], [1], [0, 1, 1, 1], [], []>, transpose_lhs_hint = false} : vector<128x150xbf16>, vector<128x256xbf16>, vector<150x256xf32> -> vector<150x256xf32>
    %swap3A_660 = arith.constant 2880 : index
    %swap3A_661 = arith.constant 0 : index
    %swap3A_662 = vector.load %arg22[%swap3A_660, %swap3A_661] : memref<5120x256xf32, #tpu.memory_space<vmem>>, vector<150x256xf32>
    tpu.vector_store %arg22[%swap3A_660, %swap3A_661], %dot_general3A_659 {strides = array<i32>} : memref<5120x256xf32, #tpu.memory_space<vmem>>, vector<150x256xf32>,
    %get3A_663 = arith.constant 19 : index
    %get3A_664 = arith.constant 0 : index
    %get3A_665 = arith.constant 0 : index
    %get3A_666 = vector.load %arg1[%get3A_663, %get3A_664, %get3A_665] : memref<32x150x6xf32, #tpu.memory_space<vmem>>, vector<1x150x6xf32>
    %get3A_667 = vector.shape_cast %get3A_666 : vector<1x150x6xf32> to vector<150x6xf32>
    %convert_element_type3A_668 = arith.truncf %get3A_667 : vector<150x6xf32> to vector<150x6xbf16>
    %swap3A_669 = arith.constant 3040 : index
    %swap3A_670 = arith.constant 0 : index
    %swap3A_671 = vector.load %arg20[%swap3A_669, %swap3A_670] : memref<5120x6xbf16, #tpu.memory_space<vmem>>, vector<150x6xbf16>
    tpu.vector_store %arg20[%swap3A_669, %swap3A_670], %convert_element_type3A_668 {strides = array<i32>} : memref<5120x6xbf16, #tpu.memory_space<vmem>>, vector<150x6xbf16>,
    %get3A_672 = arith.constant 19 : index
    %get3A_673 = arith.constant 0 : index
    %get3A_674 = arith.constant 0 : index
    %get3A_675 = vector.load %arg2[%get3A_672, %get3A_673, %get3A_674] : memref<32x150x4xf32, #tpu.memory_space<vmem>>, vector<1x150x4xf32>
    %get3A_676 = vector.shape_cast %get3A_675 : vector<1x150x4xf32> to vector<150x4xf32>
    %convert_element_type3A_677 = arith.truncf %get3A_676 : vector<150x4xf32> to vector<150x4xbf16>
    %swap3A_678 = arith.constant 3040 : index
    %swap3A_679 = arith.constant 0 : index
    %swap3A_680 = vector.load %arg21[%swap3A_678, %swap3A_679] : memref<5120x4xbf16, #tpu.memory_space<vmem>>, vector<150x4xbf16>
    tpu.vector_store %arg21[%swap3A_678, %swap3A_679], %convert_element_type3A_677 {strides = array<i32>} : memref<5120x4xbf16, #tpu.memory_space<vmem>>, vector<150x4xbf16>,
    %get3A_681 = arith.constant 19 : index
    %get3A_682 = arith.constant 0 : index
    %get3A_683 = vector.load %arg3[%get3A_681, %get3A_682] : memref<32x150xi32, #tpu.memory_space<vmem>>, vector<1x150xi32>
    %iota3A_684 = tpu.iota {dimensions = array<i32: 0>} : vector<128x150xi32>
    %eq3A_685 = vector.broadcast %get3A_683 : vector<1x150xi32> to vector<128x150xi32>
    %eq3A_686 = arith.cmpi eq, %eq3A_685, %iota3A_684 : vector<128x150xi32>
    %convert_element_type3A_687 = arith.extui %eq3A_686 : vector<128x150xi1> to vector<128x150xi32>
    %convert_element_type3A_688 = arith.sitofp %convert_element_type3A_687 : vector<128x150xi32> to vector<128x150xf32>
    %convert_element_type3A_689 = arith.truncf %convert_element_type3A_688 : vector<128x150xf32> to vector<128x150xbf16>
    %get3A_690 = arith.constant 0 : index
    %get3A_691 = arith.constant 0 : index
    %get3A_692 = vector.load %arg19[%get3A_690, %get3A_691] : memref<128x256xbf16, #tpu.memory_space<vmem>>, vector<128x256xbf16>
    %dot_general3A_693 = arith.constant dense<0.000000e+00> : vector<150x256xf32>
    %dot_general3A_694 = tpu.matmul %convert_element_type3A_689, %get3A_692, %dot_general3A_693 {dimension_numbers = #tpu.dot_dimension_numbers<[0], [0], [1], [1], [0, 1, 1, 1], [], []>, transpose_lhs_hint = false} : vector<128x150xbf16>, vector<128x256xbf16>, vector<150x256xf32> -> vector<150x256xf32>
    %swap3A_695 = arith.constant 3040 : index
    %swap3A_696 = arith.constant 0 : index
    %swap3A_697 = vector.load %arg22[%swap3A_695, %swap3A_696] : memref<5120x256xf32, #tpu.memory_space<vmem>>, vector<150x256xf32>
    tpu.vector_store %arg22[%swap3A_695, %swap3A_696], %dot_general3A_694 {strides = array<i32>} : memref<5120x256xf32, #tpu.memory_space<vmem>>, vector<150x256xf32>,
    %get3A_698 = arith.constant 20 : index
    %get3A_699 = arith.constant 0 : index
    %get3A_700 = arith.constant 0 : index
    %get3A_701 = vector.load %arg1[%get3A_698, %get3A_699, %get3A_700] : memref<32x150x6xf32, #tpu.memory_space<vmem>>, vector<1x150x6xf32>
    %get3A_702 = vector.shape_cast %get3A_701 : vector<1x150x6xf32> to vector<150x6xf32>
    %convert_element_type3A_703 = arith.truncf %get3A_702 : vector<150x6xf32> to vector<150x6xbf16>
    %swap3A_704 = arith.constant 3200 : index
    %swap3A_705 = arith.constant 0 : index
    %swap3A_706 = vector.load %arg20[%swap3A_704, %swap3A_705] : memref<5120x6xbf16, #tpu.memory_space<vmem>>, vector<150x6xbf16>
    tpu.vector_store %arg20[%swap3A_704, %swap3A_705], %convert_element_type3A_703 {strides = array<i32>} : memref<5120x6xbf16, #tpu.memory_space<vmem>>, vector<150x6xbf16>,
    %get3A_707 = arith.constant 20 : index
    %get3A_708 = arith.constant 0 : index
    %get3A_709 = arith.constant 0 : index
    %get3A_710 = vector.load %arg2[%get3A_707, %get3A_708, %get3A_709] : memref<32x150x4xf32, #tpu.memory_space<vmem>>, vector<1x150x4xf32>
    %get3A_711 = vector.shape_cast %get3A_710 : vector<1x150x4xf32> to vector<150x4xf32>
    %convert_element_type3A_712 = arith.truncf %get3A_711 : vector<150x4xf32> to vector<150x4xbf16>
    %swap3A_713 = arith.constant 3200 : index
    %swap3A_714 = arith.constant 0 : index
    %swap3A_715 = vector.load %arg21[%swap3A_713, %swap3A_714] : memref<5120x4xbf16, #tpu.memory_space<vmem>>, vector<150x4xbf16>
    tpu.vector_store %arg21[%swap3A_713, %swap3A_714], %convert_element_type3A_712 {strides = array<i32>} : memref<5120x4xbf16, #tpu.memory_space<vmem>>, vector<150x4xbf16>,
    %get3A_716 = arith.constant 20 : index
    %get3A_717 = arith.constant 0 : index
    %get3A_718 = vector.load %arg3[%get3A_716, %get3A_717] : memref<32x150xi32, #tpu.memory_space<vmem>>, vector<1x150xi32>
    %iota3A_719 = tpu.iota {dimensions = array<i32: 0>} : vector<128x150xi32>
    %eq3A_720 = vector.broadcast %get3A_718 : vector<1x150xi32> to vector<128x150xi32>
    %eq3A_721 = arith.cmpi eq, %eq3A_720, %iota3A_719 : vector<128x150xi32>
    %convert_element_type3A_722 = arith.extui %eq3A_721 : vector<128x150xi1> to vector<128x150xi32>
    %convert_element_type3A_723 = arith.sitofp %convert_element_type3A_722 : vector<128x150xi32> to vector<128x150xf32>
    %convert_element_type3A_724 = arith.truncf %convert_element_type3A_723 : vector<128x150xf32> to vector<128x150xbf16>
    %get3A_725 = arith.constant 0 : index
    %get3A_726 = arith.constant 0 : index
    %get3A_727 = vector.load %arg19[%get3A_725, %get3A_726] : memref<128x256xbf16, #tpu.memory_space<vmem>>, vector<128x256xbf16>
    %dot_general3A_728 = arith.constant dense<0.000000e+00> : vector<150x256xf32>
    %dot_general3A_729 = tpu.matmul %convert_element_type3A_724, %get3A_727, %dot_general3A_728 {dimension_numbers = #tpu.dot_dimension_numbers<[0], [0], [1], [1], [0, 1, 1, 1], [], []>, transpose_lhs_hint = false} : vector<128x150xbf16>, vector<128x256xbf16>, vector<150x256xf32> -> vector<150x256xf32>
    %swap3A_730 = arith.constant 3200 : index
    %swap3A_731 = arith.constant 0 : index
    %swap3A_732 = vector.load %arg22[%swap3A_730, %swap3A_731] : memref<5120x256xf32, #tpu.memory_space<vmem>>, vector<150x256xf32>
    tpu.vector_store %arg22[%swap3A_730, %swap3A_731], %dot_general3A_729 {strides = array<i32>} : memref<5120x256xf32, #tpu.memory_space<vmem>>, vector<150x256xf32>,
    %get3A_733 = arith.constant 21 : index
    %get3A_734 = arith.constant 0 : index
    %get3A_735 = arith.constant 0 : index
    %get3A_736 = vector.load %arg1[%get3A_733, %get3A_734, %get3A_735] : memref<32x150x6xf32, #tpu.memory_space<vmem>>, vector<1x150x6xf32>
    %get3A_737 = vector.shape_cast %get3A_736 : vector<1x150x6xf32> to vector<150x6xf32>
    %convert_element_type3A_738 = arith.truncf %get3A_737 : vector<150x6xf32> to vector<150x6xbf16>
    %swap3A_739 = arith.constant 3360 : index
    %swap3A_740 = arith.constant 0 : index
    %swap3A_741 = vector.load %arg20[%swap3A_739, %swap3A_740] : memref<5120x6xbf16, #tpu.memory_space<vmem>>, vector<150x6xbf16>
    tpu.vector_store %arg20[%swap3A_739, %swap3A_740], %convert_element_type3A_738 {strides = array<i32>} : memref<5120x6xbf16, #tpu.memory_space<vmem>>, vector<150x6xbf16>,
    %get3A_742 = arith.constant 21 : index
    %get3A_743 = arith.constant 0 : index
    %get3A_744 = arith.constant 0 : index
    %get3A_745 = vector.load %arg2[%get3A_742, %get3A_743, %get3A_744] : memref<32x150x4xf32, #tpu.memory_space<vmem>>, vector<1x150x4xf32>
    %get3A_746 = vector.shape_cast %get3A_745 : vector<1x150x4xf32> to vector<150x4xf32>
    %convert_element_type3A_747 = arith.truncf %get3A_746 : vector<150x4xf32> to vector<150x4xbf16>
    %swap3A_748 = arith.constant 3360 : index
    %swap3A_749 = arith.constant 0 : index
    %swap3A_750 = vector.load %arg21[%swap3A_748, %swap3A_749] : memref<5120x4xbf16, #tpu.memory_space<vmem>>, vector<150x4xbf16>
    tpu.vector_store %arg21[%swap3A_748, %swap3A_749], %convert_element_type3A_747 {strides = array<i32>} : memref<5120x4xbf16, #tpu.memory_space<vmem>>, vector<150x4xbf16>,
    %get3A_751 = arith.constant 21 : index
    %get3A_752 = arith.constant 0 : index
    %get3A_753 = vector.load %arg3[%get3A_751, %get3A_752] : memref<32x150xi32, #tpu.memory_space<vmem>>, vector<1x150xi32>
    %iota3A_754 = tpu.iota {dimensions = array<i32: 0>} : vector<128x150xi32>
    %eq3A_755 = vector.broadcast %get3A_753 : vector<1x150xi32> to vector<128x150xi32>
    %eq3A_756 = arith.cmpi eq, %eq3A_755, %iota3A_754 : vector<128x150xi32>
    %convert_element_type3A_757 = arith.extui %eq3A_756 : vector<128x150xi1> to vector<128x150xi32>
    %convert_element_type3A_758 = arith.sitofp %convert_element_type3A_757 : vector<128x150xi32> to vector<128x150xf32>
    %convert_element_type3A_759 = arith.truncf %convert_element_type3A_758 : vector<128x150xf32> to vector<128x150xbf16>
    %get3A_760 = arith.constant 0 : index
    %get3A_761 = arith.constant 0 : index
    %get3A_762 = vector.load %arg19[%get3A_760, %get3A_761] : memref<128x256xbf16, #tpu.memory_space<vmem>>, vector<128x256xbf16>
    %dot_general3A_763 = arith.constant dense<0.000000e+00> : vector<150x256xf32>
    %dot_general3A_764 = tpu.matmul %convert_element_type3A_759, %get3A_762, %dot_general3A_763 {dimension_numbers = #tpu.dot_dimension_numbers<[0], [0], [1], [1], [0, 1, 1, 1], [], []>, transpose_lhs_hint = false} : vector<128x150xbf16>, vector<128x256xbf16>, vector<150x256xf32> -> vector<150x256xf32>
    %swap3A_765 = arith.constant 3360 : index
    %swap3A_766 = arith.constant 0 : index
    %swap3A_767 = vector.load %arg22[%swap3A_765, %swap3A_766] : memref<5120x256xf32, #tpu.memory_space<vmem>>, vector<150x256xf32>
    tpu.vector_store %arg22[%swap3A_765, %swap3A_766], %dot_general3A_764 {strides = array<i32>} : memref<5120x256xf32, #tpu.memory_space<vmem>>, vector<150x256xf32>,
    %get3A_768 = arith.constant 22 : index
    %get3A_769 = arith.constant 0 : index
    %get3A_770 = arith.constant 0 : index
    %get3A_771 = vector.load %arg1[%get3A_768, %get3A_769, %get3A_770] : memref<32x150x6xf32, #tpu.memory_space<vmem>>, vector<1x150x6xf32>
    %get3A_772 = vector.shape_cast %get3A_771 : vector<1x150x6xf32> to vector<150x6xf32>
    %convert_element_type3A_773 = arith.truncf %get3A_772 : vector<150x6xf32> to vector<150x6xbf16>
    %swap3A_774 = arith.constant 3520 : index
    %swap3A_775 = arith.constant 0 : index
    %swap3A_776 = vector.load %arg20[%swap3A_774, %swap3A_775] : memref<5120x6xbf16, #tpu.memory_space<vmem>>, vector<150x6xbf16>
    tpu.vector_store %arg20[%swap3A_774, %swap3A_775], %convert_element_type3A_773 {strides = array<i32>} : memref<5120x6xbf16, #tpu.memory_space<vmem>>, vector<150x6xbf16>,
    %get3A_777 = arith.constant 22 : index
    %get3A_778 = arith.constant 0 : index
    %get3A_779 = arith.constant 0 : index
    %get3A_780 = vector.load %arg2[%get3A_777, %get3A_778, %get3A_779] : memref<32x150x4xf32, #tpu.memory_space<vmem>>, vector<1x150x4xf32>
    %get3A_781 = vector.shape_cast %get3A_780 : vector<1x150x4xf32> to vector<150x4xf32>
    %convert_element_type3A_782 = arith.truncf %get3A_781 : vector<150x4xf32> to vector<150x4xbf16>
    %swap3A_783 = arith.constant 3520 : index
    %swap3A_784 = arith.constant 0 : index
    %swap3A_785 = vector.load %arg21[%swap3A_783, %swap3A_784] : memref<5120x4xbf16, #tpu.memory_space<vmem>>, vector<150x4xbf16>
    tpu.vector_store %arg21[%swap3A_783, %swap3A_784], %convert_element_type3A_782 {strides = array<i32>} : memref<5120x4xbf16, #tpu.memory_space<vmem>>, vector<150x4xbf16>,
    %get3A_786 = arith.constant 22 : index
    %get3A_787 = arith.constant 0 : index
    %get3A_788 = vector.load %arg3[%get3A_786, %get3A_787] : memref<32x150xi32, #tpu.memory_space<vmem>>, vector<1x150xi32>
    %iota3A_789 = tpu.iota {dimensions = array<i32: 0>} : vector<128x150xi32>
    %eq3A_790 = vector.broadcast %get3A_788 : vector<1x150xi32> to vector<128x150xi32>
    %eq3A_791 = arith.cmpi eq, %eq3A_790, %iota3A_789 : vector<128x150xi32>
    %convert_element_type3A_792 = arith.extui %eq3A_791 : vector<128x150xi1> to vector<128x150xi32>
    %convert_element_type3A_793 = arith.sitofp %convert_element_type3A_792 : vector<128x150xi32> to vector<128x150xf32>
    %convert_element_type3A_794 = arith.truncf %convert_element_type3A_793 : vector<128x150xf32> to vector<128x150xbf16>
    %get3A_795 = arith.constant 0 : index
    %get3A_796 = arith.constant 0 : index
    %get3A_797 = vector.load %arg19[%get3A_795, %get3A_796] : memref<128x256xbf16, #tpu.memory_space<vmem>>, vector<128x256xbf16>
    %dot_general3A_798 = arith.constant dense<0.000000e+00> : vector<150x256xf32>
    %dot_general3A_799 = tpu.matmul %convert_element_type3A_794, %get3A_797, %dot_general3A_798 {dimension_numbers = #tpu.dot_dimension_numbers<[0], [0], [1], [1], [0, 1, 1, 1], [], []>, transpose_lhs_hint = false} : vector<128x150xbf16>, vector<128x256xbf16>, vector<150x256xf32> -> vector<150x256xf32>
    %swap3A_800 = arith.constant 3520 : index
    %swap3A_801 = arith.constant 0 : index
    %swap3A_802 = vector.load %arg22[%swap3A_800, %swap3A_801] : memref<5120x256xf32, #tpu.memory_space<vmem>>, vector<150x256xf32>
    tpu.vector_store %arg22[%swap3A_800, %swap3A_801], %dot_general3A_799 {strides = array<i32>} : memref<5120x256xf32, #tpu.memory_space<vmem>>, vector<150x256xf32>,
    %get3A_803 = arith.constant 23 : index
    %get3A_804 = arith.constant 0 : index
    %get3A_805 = arith.constant 0 : index
    %get3A_806 = vector.load %arg1[%get3A_803, %get3A_804, %get3A_805] : memref<32x150x6xf32, #tpu.memory_space<vmem>>, vector<1x150x6xf32>
    %get3A_807 = vector.shape_cast %get3A_806 : vector<1x150x6xf32> to vector<150x6xf32>
    %convert_element_type3A_808 = arith.truncf %get3A_807 : vector<150x6xf32> to vector<150x6xbf16>
    %swap3A_809 = arith.constant 3680 : index
    %swap3A_810 = arith.constant 0 : index
    %swap3A_811 = vector.load %arg20[%swap3A_809, %swap3A_810] : memref<5120x6xbf16, #tpu.memory_space<vmem>>, vector<150x6xbf16>
    tpu.vector_store %arg20[%swap3A_809, %swap3A_810], %convert_element_type3A_808 {strides = array<i32>} : memref<5120x6xbf16, #tpu.memory_space<vmem>>, vector<150x6xbf16>,
    %get3A_812 = arith.constant 23 : index
    %get3A_813 = arith.constant 0 : index
    %get3A_814 = arith.constant 0 : index
    %get3A_815 = vector.load %arg2[%get3A_812, %get3A_813, %get3A_814] : memref<32x150x4xf32, #tpu.memory_space<vmem>>, vector<1x150x4xf32>
    %get3A_816 = vector.shape_cast %get3A_815 : vector<1x150x4xf32> to vector<150x4xf32>
    %convert_element_type3A_817 = arith.truncf %get3A_816 : vector<150x4xf32> to vector<150x4xbf16>
    %swap3A_818 = arith.constant 3680 : index
    %swap3A_819 = arith.constant 0 : index
    %swap3A_820 = vector.load %arg21[%swap3A_818, %swap3A_819] : memref<5120x4xbf16, #tpu.memory_space<vmem>>, vector<150x4xbf16>
    tpu.vector_store %arg21[%swap3A_818, %swap3A_819], %convert_element_type3A_817 {strides = array<i32>} : memref<5120x4xbf16, #tpu.memory_space<vmem>>, vector<150x4xbf16>,
    %get3A_821 = arith.constant 23 : index
    %get3A_822 = arith.constant 0 : index
    %get3A_823 = vector.load %arg3[%get3A_821, %get3A_822] : memref<32x150xi32, #tpu.memory_space<vmem>>, vector<1x150xi32>
    %iota3A_824 = tpu.iota {dimensions = array<i32: 0>} : vector<128x150xi32>
    %eq3A_825 = vector.broadcast %get3A_823 : vector<1x150xi32> to vector<128x150xi32>
    %eq3A_826 = arith.cmpi eq, %eq3A_825, %iota3A_824 : vector<128x150xi32>
    %convert_element_type3A_827 = arith.extui %eq3A_826 : vector<128x150xi1> to vector<128x150xi32>
    %convert_element_type3A_828 = arith.sitofp %convert_element_type3A_827 : vector<128x150xi32> to vector<128x150xf32>
    %convert_element_type3A_829 = arith.truncf %convert_element_type3A_828 : vector<128x150xf32> to vector<128x150xbf16>
    %get3A_830 = arith.constant 0 : index
    %get3A_831 = arith.constant 0 : index
    %get3A_832 = vector.load %arg19[%get3A_830, %get3A_831] : memref<128x256xbf16, #tpu.memory_space<vmem>>, vector<128x256xbf16>
    %dot_general3A_833 = arith.constant dense<0.000000e+00> : vector<150x256xf32>
    %dot_general3A_834 = tpu.matmul %convert_element_type3A_829, %get3A_832, %dot_general3A_833 {dimension_numbers = #tpu.dot_dimension_numbers<[0], [0], [1], [1], [0, 1, 1, 1], [], []>, transpose_lhs_hint = false} : vector<128x150xbf16>, vector<128x256xbf16>, vector<150x256xf32> -> vector<150x256xf32>
    %swap3A_835 = arith.constant 3680 : index
    %swap3A_836 = arith.constant 0 : index
    %swap3A_837 = vector.load %arg22[%swap3A_835, %swap3A_836] : memref<5120x256xf32, #tpu.memory_space<vmem>>, vector<150x256xf32>
    tpu.vector_store %arg22[%swap3A_835, %swap3A_836], %dot_general3A_834 {strides = array<i32>} : memref<5120x256xf32, #tpu.memory_space<vmem>>, vector<150x256xf32>,
    %get3A_838 = arith.constant 24 : index
    %get3A_839 = arith.constant 0 : index
    %get3A_840 = arith.constant 0 : index
    %get3A_841 = vector.load %arg1[%get3A_838, %get3A_839, %get3A_840] : memref<32x150x6xf32, #tpu.memory_space<vmem>>, vector<1x150x6xf32>
    %get3A_842 = vector.shape_cast %get3A_841 : vector<1x150x6xf32> to vector<150x6xf32>
    %convert_element_type3A_843 = arith.truncf %get3A_842 : vector<150x6xf32> to vector<150x6xbf16>
    %swap3A_844 = arith.constant 3840 : index
    %swap3A_845 = arith.constant 0 : index
    %swap3A_846 = vector.load %arg20[%swap3A_844, %swap3A_845] : memref<5120x6xbf16, #tpu.memory_space<vmem>>, vector<150x6xbf16>
    tpu.vector_store %arg20[%swap3A_844, %swap3A_845], %convert_element_type3A_843 {strides = array<i32>} : memref<5120x6xbf16, #tpu.memory_space<vmem>>, vector<150x6xbf16>,
    %get3A_847 = arith.constant 24 : index
    %get3A_848 = arith.constant 0 : index
    %get3A_849 = arith.constant 0 : index
    %get3A_850 = vector.load %arg2[%get3A_847, %get3A_848, %get3A_849] : memref<32x150x4xf32, #tpu.memory_space<vmem>>, vector<1x150x4xf32>
    %get3A_851 = vector.shape_cast %get3A_850 : vector<1x150x4xf32> to vector<150x4xf32>
    %convert_element_type3A_852 = arith.truncf %get3A_851 : vector<150x4xf32> to vector<150x4xbf16>
    %swap3A_853 = arith.constant 3840 : index
    %swap3A_854 = arith.constant 0 : index
    %swap3A_855 = vector.load %arg21[%swap3A_853, %swap3A_854] : memref<5120x4xbf16, #tpu.memory_space<vmem>>, vector<150x4xbf16>
    tpu.vector_store %arg21[%swap3A_853, %swap3A_854], %convert_element_type3A_852 {strides = array<i32>} : memref<5120x4xbf16, #tpu.memory_space<vmem>>, vector<150x4xbf16>,
    %get3A_856 = arith.constant 24 : index
    %get3A_857 = arith.constant 0 : index
    %get3A_858 = vector.load %arg3[%get3A_856, %get3A_857] : memref<32x150xi32, #tpu.memory_space<vmem>>, vector<1x150xi32>
    %iota3A_859 = tpu.iota {dimensions = array<i32: 0>} : vector<128x150xi32>
    %eq3A_860 = vector.broadcast %get3A_858 : vector<1x150xi32> to vector<128x150xi32>
    %eq3A_861 = arith.cmpi eq, %eq3A_860, %iota3A_859 : vector<128x150xi32>
    %convert_element_type3A_862 = arith.extui %eq3A_861 : vector<128x150xi1> to vector<128x150xi32>
    %convert_element_type3A_863 = arith.sitofp %convert_element_type3A_862 : vector<128x150xi32> to vector<128x150xf32>
    %convert_element_type3A_864 = arith.truncf %convert_element_type3A_863 : vector<128x150xf32> to vector<128x150xbf16>
    %get3A_865 = arith.constant 0 : index
    %get3A_866 = arith.constant 0 : index
    %get3A_867 = vector.load %arg19[%get3A_865, %get3A_866] : memref<128x256xbf16, #tpu.memory_space<vmem>>, vector<128x256xbf16>
    %dot_general3A_868 = arith.constant dense<0.000000e+00> : vector<150x256xf32>
    %dot_general3A_869 = tpu.matmul %convert_element_type3A_864, %get3A_867, %dot_general3A_868 {dimension_numbers = #tpu.dot_dimension_numbers<[0], [0], [1], [1], [0, 1, 1, 1], [], []>, transpose_lhs_hint = false} : vector<128x150xbf16>, vector<128x256xbf16>, vector<150x256xf32> -> vector<150x256xf32>
    %swap3A_870 = arith.constant 3840 : index
    %swap3A_871 = arith.constant 0 : index
    %swap3A_872 = vector.load %arg22[%swap3A_870, %swap3A_871] : memref<5120x256xf32, #tpu.memory_space<vmem>>, vector<150x256xf32>
    tpu.vector_store %arg22[%swap3A_870, %swap3A_871], %dot_general3A_869 {strides = array<i32>} : memref<5120x256xf32, #tpu.memory_space<vmem>>, vector<150x256xf32>,
    %get3A_873 = arith.constant 25 : index
    %get3A_874 = arith.constant 0 : index
    %get3A_875 = arith.constant 0 : index
    %get3A_876 = vector.load %arg1[%get3A_873, %get3A_874, %get3A_875] : memref<32x150x6xf32, #tpu.memory_space<vmem>>, vector<1x150x6xf32>
    %get3A_877 = vector.shape_cast %get3A_876 : vector<1x150x6xf32> to vector<150x6xf32>
    %convert_element_type3A_878 = arith.truncf %get3A_877 : vector<150x6xf32> to vector<150x6xbf16>
    %swap3A_879 = arith.constant 4000 : index
    %swap3A_880 = arith.constant 0 : index
    %swap3A_881 = vector.load %arg20[%swap3A_879, %swap3A_880] : memref<5120x6xbf16, #tpu.memory_space<vmem>>, vector<150x6xbf16>
    tpu.vector_store %arg20[%swap3A_879, %swap3A_880], %convert_element_type3A_878 {strides = array<i32>} : memref<5120x6xbf16, #tpu.memory_space<vmem>>, vector<150x6xbf16>,
    %get3A_882 = arith.constant 25 : index
    %get3A_883 = arith.constant 0 : index
    %get3A_884 = arith.constant 0 : index
    %get3A_885 = vector.load %arg2[%get3A_882, %get3A_883, %get3A_884] : memref<32x150x4xf32, #tpu.memory_space<vmem>>, vector<1x150x4xf32>
    %get3A_886 = vector.shape_cast %get3A_885 : vector<1x150x4xf32> to vector<150x4xf32>
    %convert_element_type3A_887 = arith.truncf %get3A_886 : vector<150x4xf32> to vector<150x4xbf16>
    %swap3A_888 = arith.constant 4000 : index
    %swap3A_889 = arith.constant 0 : index
    %swap3A_890 = vector.load %arg21[%swap3A_888, %swap3A_889] : memref<5120x4xbf16, #tpu.memory_space<vmem>>, vector<150x4xbf16>
    tpu.vector_store %arg21[%swap3A_888, %swap3A_889], %convert_element_type3A_887 {strides = array<i32>} : memref<5120x4xbf16, #tpu.memory_space<vmem>>, vector<150x4xbf16>,
    %get3A_891 = arith.constant 25 : index
    %get3A_892 = arith.constant 0 : index
    %get3A_893 = vector.load %arg3[%get3A_891, %get3A_892] : memref<32x150xi32, #tpu.memory_space<vmem>>, vector<1x150xi32>
    %iota3A_894 = tpu.iota {dimensions = array<i32: 0>} : vector<128x150xi32>
    %eq3A_895 = vector.broadcast %get3A_893 : vector<1x150xi32> to vector<128x150xi32>
    %eq3A_896 = arith.cmpi eq, %eq3A_895, %iota3A_894 : vector<128x150xi32>
    %convert_element_type3A_897 = arith.extui %eq3A_896 : vector<128x150xi1> to vector<128x150xi32>
    %convert_element_type3A_898 = arith.sitofp %convert_element_type3A_897 : vector<128x150xi32> to vector<128x150xf32>
    %convert_element_type3A_899 = arith.truncf %convert_element_type3A_898 : vector<128x150xf32> to vector<128x150xbf16>
    %get3A_900 = arith.constant 0 : index
    %get3A_901 = arith.constant 0 : index
    %get3A_902 = vector.load %arg19[%get3A_900, %get3A_901] : memref<128x256xbf16, #tpu.memory_space<vmem>>, vector<128x256xbf16>
    %dot_general3A_903 = arith.constant dense<0.000000e+00> : vector<150x256xf32>
    %dot_general3A_904 = tpu.matmul %convert_element_type3A_899, %get3A_902, %dot_general3A_903 {dimension_numbers = #tpu.dot_dimension_numbers<[0], [0], [1], [1], [0, 1, 1, 1], [], []>, transpose_lhs_hint = false} : vector<128x150xbf16>, vector<128x256xbf16>, vector<150x256xf32> -> vector<150x256xf32>
    %swap3A_905 = arith.constant 4000 : index
    %swap3A_906 = arith.constant 0 : index
    %swap3A_907 = vector.load %arg22[%swap3A_905, %swap3A_906] : memref<5120x256xf32, #tpu.memory_space<vmem>>, vector<150x256xf32>
    tpu.vector_store %arg22[%swap3A_905, %swap3A_906], %dot_general3A_904 {strides = array<i32>} : memref<5120x256xf32, #tpu.memory_space<vmem>>, vector<150x256xf32>,
    %get3A_908 = arith.constant 26 : index
    %get3A_909 = arith.constant 0 : index
    %get3A_910 = arith.constant 0 : index
    %get3A_911 = vector.load %arg1[%get3A_908, %get3A_909, %get3A_910] : memref<32x150x6xf32, #tpu.memory_space<vmem>>, vector<1x150x6xf32>
    %get3A_912 = vector.shape_cast %get3A_911 : vector<1x150x6xf32> to vector<150x6xf32>
    %convert_element_type3A_913 = arith.truncf %get3A_912 : vector<150x6xf32> to vector<150x6xbf16>
    %swap3A_914 = arith.constant 4160 : index
    %swap3A_915 = arith.constant 0 : index
    %swap3A_916 = vector.load %arg20[%swap3A_914, %swap3A_915] : memref<5120x6xbf16, #tpu.memory_space<vmem>>, vector<150x6xbf16>
    tpu.vector_store %arg20[%swap3A_914, %swap3A_915], %convert_element_type3A_913 {strides = array<i32>} : memref<5120x6xbf16, #tpu.memory_space<vmem>>, vector<150x6xbf16>,
    %get3A_917 = arith.constant 26 : index
    %get3A_918 = arith.constant 0 : index
    %get3A_919 = arith.constant 0 : index
    %get3A_920 = vector.load %arg2[%get3A_917, %get3A_918, %get3A_919] : memref<32x150x4xf32, #tpu.memory_space<vmem>>, vector<1x150x4xf32>
    %get3A_921 = vector.shape_cast %get3A_920 : vector<1x150x4xf32> to vector<150x4xf32>
    %convert_element_type3A_922 = arith.truncf %get3A_921 : vector<150x4xf32> to vector<150x4xbf16>
    %swap3A_923 = arith.constant 4160 : index
    %swap3A_924 = arith.constant 0 : index
    %swap3A_925 = vector.load %arg21[%swap3A_923, %swap3A_924] : memref<5120x4xbf16, #tpu.memory_space<vmem>>, vector<150x4xbf16>
    tpu.vector_store %arg21[%swap3A_923, %swap3A_924], %convert_element_type3A_922 {strides = array<i32>} : memref<5120x4xbf16, #tpu.memory_space<vmem>>, vector<150x4xbf16>,
    %get3A_926 = arith.constant 26 : index
    %get3A_927 = arith.constant 0 : index
    %get3A_928 = vector.load %arg3[%get3A_926, %get3A_927] : memref<32x150xi32, #tpu.memory_space<vmem>>, vector<1x150xi32>
    %iota3A_929 = tpu.iota {dimensions = array<i32: 0>} : vector<128x150xi32>
    %eq3A_930 = vector.broadcast %get3A_928 : vector<1x150xi32> to vector<128x150xi32>
    %eq3A_931 = arith.cmpi eq, %eq3A_930, %iota3A_929 : vector<128x150xi32>
    %convert_element_type3A_932 = arith.extui %eq3A_931 : vector<128x150xi1> to vector<128x150xi32>
    %convert_element_type3A_933 = arith.sitofp %convert_element_type3A_932 : vector<128x150xi32> to vector<128x150xf32>
    %convert_element_type3A_934 = arith.truncf %convert_element_type3A_933 : vector<128x150xf32> to vector<128x150xbf16>
    %get3A_935 = arith.constant 0 : index
    %get3A_936 = arith.constant 0 : index
    %get3A_937 = vector.load %arg19[%get3A_935, %get3A_936] : memref<128x256xbf16, #tpu.memory_space<vmem>>, vector<128x256xbf16>
    %dot_general3A_938 = arith.constant dense<0.000000e+00> : vector<150x256xf32>
    %dot_general3A_939 = tpu.matmul %convert_element_type3A_934, %get3A_937, %dot_general3A_938 {dimension_numbers = #tpu.dot_dimension_numbers<[0], [0], [1], [1], [0, 1, 1, 1], [], []>, transpose_lhs_hint = false} : vector<128x150xbf16>, vector<128x256xbf16>, vector<150x256xf32> -> vector<150x256xf32>
    %swap3A_940 = arith.constant 4160 : index
    %swap3A_941 = arith.constant 0 : index
    %swap3A_942 = vector.load %arg22[%swap3A_940, %swap3A_941] : memref<5120x256xf32, #tpu.memory_space<vmem>>, vector<150x256xf32>
    tpu.vector_store %arg22[%swap3A_940, %swap3A_941], %dot_general3A_939 {strides = array<i32>} : memref<5120x256xf32, #tpu.memory_space<vmem>>, vector<150x256xf32>,
    %get3A_943 = arith.constant 27 : index
    %get3A_944 = arith.constant 0 : index
    %get3A_945 = arith.constant 0 : index
    %get3A_946 = vector.load %arg1[%get3A_943, %get3A_944, %get3A_945] : memref<32x150x6xf32, #tpu.memory_space<vmem>>, vector<1x150x6xf32>
    %get3A_947 = vector.shape_cast %get3A_946 : vector<1x150x6xf32> to vector<150x6xf32>
    %convert_element_type3A_948 = arith.truncf %get3A_947 : vector<150x6xf32> to vector<150x6xbf16>
    %swap3A_949 = arith.constant 4320 : index
    %swap3A_950 = arith.constant 0 : index
    %swap3A_951 = vector.load %arg20[%swap3A_949, %swap3A_950] : memref<5120x6xbf16, #tpu.memory_space<vmem>>, vector<150x6xbf16>
    tpu.vector_store %arg20[%swap3A_949, %swap3A_950], %convert_element_type3A_948 {strides = array<i32>} : memref<5120x6xbf16, #tpu.memory_space<vmem>>, vector<150x6xbf16>,
    %get3A_952 = arith.constant 27 : index
    %get3A_953 = arith.constant 0 : index
    %get3A_954 = arith.constant 0 : index
    %get3A_955 = vector.load %arg2[%get3A_952, %get3A_953, %get3A_954] : memref<32x150x4xf32, #tpu.memory_space<vmem>>, vector<1x150x4xf32>
    %get3A_956 = vector.shape_cast %get3A_955 : vector<1x150x4xf32> to vector<150x4xf32>
    %convert_element_type3A_957 = arith.truncf %get3A_956 : vector<150x4xf32> to vector<150x4xbf16>
    %swap3A_958 = arith.constant 4320 : index
    %swap3A_959 = arith.constant 0 : index
    %swap3A_960 = vector.load %arg21[%swap3A_958, %swap3A_959] : memref<5120x4xbf16, #tpu.memory_space<vmem>>, vector<150x4xbf16>
    tpu.vector_store %arg21[%swap3A_958, %swap3A_959], %convert_element_type3A_957 {strides = array<i32>} : memref<5120x4xbf16, #tpu.memory_space<vmem>>, vector<150x4xbf16>,
    %get3A_961 = arith.constant 27 : index
    %get3A_962 = arith.constant 0 : index
    %get3A_963 = vector.load %arg3[%get3A_961, %get3A_962] : memref<32x150xi32, #tpu.memory_space<vmem>>, vector<1x150xi32>
    %iota3A_964 = tpu.iota {dimensions = array<i32: 0>} : vector<128x150xi32>
    %eq3A_965 = vector.broadcast %get3A_963 : vector<1x150xi32> to vector<128x150xi32>
    %eq3A_966 = arith.cmpi eq, %eq3A_965, %iota3A_964 : vector<128x150xi32>
    %convert_element_type3A_967 = arith.extui %eq3A_966 : vector<128x150xi1> to vector<128x150xi32>
    %convert_element_type3A_968 = arith.sitofp %convert_element_type3A_967 : vector<128x150xi32> to vector<128x150xf32>
    %convert_element_type3A_969 = arith.truncf %convert_element_type3A_968 : vector<128x150xf32> to vector<128x150xbf16>
    %get3A_970 = arith.constant 0 : index
    %get3A_971 = arith.constant 0 : index
    %get3A_972 = vector.load %arg19[%get3A_970, %get3A_971] : memref<128x256xbf16, #tpu.memory_space<vmem>>, vector<128x256xbf16>
    %dot_general3A_973 = arith.constant dense<0.000000e+00> : vector<150x256xf32>
    %dot_general3A_974 = tpu.matmul %convert_element_type3A_969, %get3A_972, %dot_general3A_973 {dimension_numbers = #tpu.dot_dimension_numbers<[0], [0], [1], [1], [0, 1, 1, 1], [], []>, transpose_lhs_hint = false} : vector<128x150xbf16>, vector<128x256xbf16>, vector<150x256xf32> -> vector<150x256xf32>
    %swap3A_975 = arith.constant 4320 : index
    %swap3A_976 = arith.constant 0 : index
    %swap3A_977 = vector.load %arg22[%swap3A_975, %swap3A_976] : memref<5120x256xf32, #tpu.memory_space<vmem>>, vector<150x256xf32>
    tpu.vector_store %arg22[%swap3A_975, %swap3A_976], %dot_general3A_974 {strides = array<i32>} : memref<5120x256xf32, #tpu.memory_space<vmem>>, vector<150x256xf32>,
    %get3A_978 = arith.constant 28 : index
    %get3A_979 = arith.constant 0 : index
    %get3A_980 = arith.constant 0 : index
    %get3A_981 = vector.load %arg1[%get3A_978, %get3A_979, %get3A_980] : memref<32x150x6xf32, #tpu.memory_space<vmem>>, vector<1x150x6xf32>
    %get3A_982 = vector.shape_cast %get3A_981 : vector<1x150x6xf32> to vector<150x6xf32>
    %convert_element_type3A_983 = arith.truncf %get3A_982 : vector<150x6xf32> to vector<150x6xbf16>
    %swap3A_984 = arith.constant 4480 : index
    %swap3A_985 = arith.constant 0 : index
    %swap3A_986 = vector.load %arg20[%swap3A_984, %swap3A_985] : memref<5120x6xbf16, #tpu.memory_space<vmem>>, vector<150x6xbf16>
    tpu.vector_store %arg20[%swap3A_984, %swap3A_985], %convert_element_type3A_983 {strides = array<i32>} : memref<5120x6xbf16, #tpu.memory_space<vmem>>, vector<150x6xbf16>,
    %get3A_987 = arith.constant 28 : index
    %get3A_988 = arith.constant 0 : index
    %get3A_989 = arith.constant 0 : index
    %get3A_990 = vector.load %arg2[%get3A_987, %get3A_988, %get3A_989] : memref<32x150x4xf32, #tpu.memory_space<vmem>>, vector<1x150x4xf32>
    %get3A_991 = vector.shape_cast %get3A_990 : vector<1x150x4xf32> to vector<150x4xf32>
    %convert_element_type3A_992 = arith.truncf %get3A_991 : vector<150x4xf32> to vector<150x4xbf16>
    %swap3A_993 = arith.constant 4480 : index
    %swap3A_994 = arith.constant 0 : index
    %swap3A_995 = vector.load %arg21[%swap3A_993, %swap3A_994] : memref<5120x4xbf16, #tpu.memory_space<vmem>>, vector<150x4xbf16>
    tpu.vector_store %arg21[%swap3A_993, %swap3A_994], %convert_element_type3A_992 {strides = array<i32>} : memref<5120x4xbf16, #tpu.memory_space<vmem>>, vector<150x4xbf16>,
    %get3A_996 = arith.constant 28 : index
    %get3A_997 = arith.constant 0 : index
    %get3A_998 = vector.load %arg3[%get3A_996, %get3A_997] : memref<32x150xi32, #tpu.memory_space<vmem>>, vector<1x150xi32>
    %iota3A_999 = tpu.iota {dimensions = array<i32: 0>} : vector<128x150xi32>
    %eq3A_1000 = vector.broadcast %get3A_998 : vector<1x150xi32> to vector<128x150xi32>
    %eq3A_1001 = arith.cmpi eq, %eq3A_1000, %iota3A_999 : vector<128x150xi32>
    %convert_element_type3A_1002 = arith.extui %eq3A_1001 : vector<128x150xi1> to vector<128x150xi32>
    %convert_element_type3A_1003 = arith.sitofp %convert_element_type3A_1002 : vector<128x150xi32> to vector<128x150xf32>
    %convert_element_type3A_1004 = arith.truncf %convert_element_type3A_1003 : vector<128x150xf32> to vector<128x150xbf16>
    %get3A_1005 = arith.constant 0 : index
    %get3A_1006 = arith.constant 0 : index
    %get3A_1007 = vector.load %arg19[%get3A_1005, %get3A_1006] : memref<128x256xbf16, #tpu.memory_space<vmem>>, vector<128x256xbf16>
    %dot_general3A_1008 = arith.constant dense<0.000000e+00> : vector<150x256xf32>
    %dot_general3A_1009 = tpu.matmul %convert_element_type3A_1004, %get3A_1007, %dot_general3A_1008 {dimension_numbers = #tpu.dot_dimension_numbers<[0], [0], [1], [1], [0, 1, 1, 1], [], []>, transpose_lhs_hint = false} : vector<128x150xbf16>, vector<128x256xbf16>, vector<150x256xf32> -> vector<150x256xf32>
    %swap3A_1010 = arith.constant 4480 : index
    %swap3A_1011 = arith.constant 0 : index
    %swap3A_1012 = vector.load %arg22[%swap3A_1010, %swap3A_1011] : memref<5120x256xf32, #tpu.memory_space<vmem>>, vector<150x256xf32>
    tpu.vector_store %arg22[%swap3A_1010, %swap3A_1011], %dot_general3A_1009 {strides = array<i32>} : memref<5120x256xf32, #tpu.memory_space<vmem>>, vector<150x256xf32>,
    %get3A_1013 = arith.constant 29 : index
    %get3A_1014 = arith.constant 0 : index
    %get3A_1015 = arith.constant 0 : index
    %get3A_1016 = vector.load %arg1[%get3A_1013, %get3A_1014, %get3A_1015] : memref<32x150x6xf32, #tpu.memory_space<vmem>>, vector<1x150x6xf32>
    %get3A_1017 = vector.shape_cast %get3A_1016 : vector<1x150x6xf32> to vector<150x6xf32>
    %convert_element_type3A_1018 = arith.truncf %get3A_1017 : vector<150x6xf32> to vector<150x6xbf16>
    %swap3A_1019 = arith.constant 4640 : index
    %swap3A_1020 = arith.constant 0 : index
    %swap3A_1021 = vector.load %arg20[%swap3A_1019, %swap3A_1020] : memref<5120x6xbf16, #tpu.memory_space<vmem>>, vector<150x6xbf16>
    tpu.vector_store %arg20[%swap3A_1019, %swap3A_1020], %convert_element_type3A_1018 {strides = array<i32>} : memref<5120x6xbf16, #tpu.memory_space<vmem>>, vector<150x6xbf16>,
    %get3A_1022 = arith.constant 29 : index
    %get3A_1023 = arith.constant 0 : index
    %get3A_1024 = arith.constant 0 : index
    %get3A_1025 = vector.load %arg2[%get3A_1022, %get3A_1023, %get3A_1024] : memref<32x150x4xf32, #tpu.memory_space<vmem>>, vector<1x150x4xf32>
    %get3A_1026 = vector.shape_cast %get3A_1025 : vector<1x150x4xf32> to vector<150x4xf32>
    %convert_element_type3A_1027 = arith.truncf %get3A_1026 : vector<150x4xf32> to vector<150x4xbf16>
    %swap3A_1028 = arith.constant 4640 : index
    %swap3A_1029 = arith.constant 0 : index
    %swap3A_1030 = vector.load %arg21[%swap3A_1028, %swap3A_1029] : memref<5120x4xbf16, #tpu.memory_space<vmem>>, vector<150x4xbf16>
    tpu.vector_store %arg21[%swap3A_1028, %swap3A_1029], %convert_element_type3A_1027 {strides = array<i32>} : memref<5120x4xbf16, #tpu.memory_space<vmem>>, vector<150x4xbf16>,
    %get3A_1031 = arith.constant 29 : index
    %get3A_1032 = arith.constant 0 : index
    %get3A_1033 = vector.load %arg3[%get3A_1031, %get3A_1032] : memref<32x150xi32, #tpu.memory_space<vmem>>, vector<1x150xi32>
    %iota3A_1034 = tpu.iota {dimensions = array<i32: 0>} : vector<128x150xi32>
    %eq3A_1035 = vector.broadcast %get3A_1033 : vector<1x150xi32> to vector<128x150xi32>
    %eq3A_1036 = arith.cmpi eq, %eq3A_1035, %iota3A_1034 : vector<128x150xi32>
    %convert_element_type3A_1037 = arith.extui %eq3A_1036 : vector<128x150xi1> to vector<128x150xi32>
    %convert_element_type3A_1038 = arith.sitofp %convert_element_type3A_1037 : vector<128x150xi32> to vector<128x150xf32>
    %convert_element_type3A_1039 = arith.truncf %convert_element_type3A_1038 : vector<128x150xf32> to vector<128x150xbf16>
    %get3A_1040 = arith.constant 0 : index
    %get3A_1041 = arith.constant 0 : index
    %get3A_1042 = vector.load %arg19[%get3A_1040, %get3A_1041] : memref<128x256xbf16, #tpu.memory_space<vmem>>, vector<128x256xbf16>
    %dot_general3A_1043 = arith.constant dense<0.000000e+00> : vector<150x256xf32>
    %dot_general3A_1044 = tpu.matmul %convert_element_type3A_1039, %get3A_1042, %dot_general3A_1043 {dimension_numbers = #tpu.dot_dimension_numbers<[0], [0], [1], [1], [0, 1, 1, 1], [], []>, transpose_lhs_hint = false} : vector<128x150xbf16>, vector<128x256xbf16>, vector<150x256xf32> -> vector<150x256xf32>
    %swap3A_1045 = arith.constant 4640 : index
    %swap3A_1046 = arith.constant 0 : index
    %swap3A_1047 = vector.load %arg22[%swap3A_1045, %swap3A_1046] : memref<5120x256xf32, #tpu.memory_space<vmem>>, vector<150x256xf32>
    tpu.vector_store %arg22[%swap3A_1045, %swap3A_1046], %dot_general3A_1044 {strides = array<i32>} : memref<5120x256xf32, #tpu.memory_space<vmem>>, vector<150x256xf32>,
    %get3A_1048 = arith.constant 30 : index
    %get3A_1049 = arith.constant 0 : index
    %get3A_1050 = arith.constant 0 : index
    %get3A_1051 = vector.load %arg1[%get3A_1048, %get3A_1049, %get3A_1050] : memref<32x150x6xf32, #tpu.memory_space<vmem>>, vector<1x150x6xf32>
    %get3A_1052 = vector.shape_cast %get3A_1051 : vector<1x150x6xf32> to vector<150x6xf32>
    %convert_element_type3A_1053 = arith.truncf %get3A_1052 : vector<150x6xf32> to vector<150x6xbf16>
    %swap3A_1054 = arith.constant 4800 : index
    %swap3A_1055 = arith.constant 0 : index
    %swap3A_1056 = vector.load %arg20[%swap3A_1054, %swap3A_1055] : memref<5120x6xbf16, #tpu.memory_space<vmem>>, vector<150x6xbf16>
    tpu.vector_store %arg20[%swap3A_1054, %swap3A_1055], %convert_element_type3A_1053 {strides = array<i32>} : memref<5120x6xbf16, #tpu.memory_space<vmem>>, vector<150x6xbf16>,
    %get3A_1057 = arith.constant 30 : index
    %get3A_1058 = arith.constant 0 : index
    %get3A_1059 = arith.constant 0 : index
    %get3A_1060 = vector.load %arg2[%get3A_1057, %get3A_1058, %get3A_1059] : memref<32x150x4xf32, #tpu.memory_space<vmem>>, vector<1x150x4xf32>
    %get3A_1061 = vector.shape_cast %get3A_1060 : vector<1x150x4xf32> to vector<150x4xf32>
    %convert_element_type3A_1062 = arith.truncf %get3A_1061 : vector<150x4xf32> to vector<150x4xbf16>
    %swap3A_1063 = arith.constant 4800 : index
    %swap3A_1064 = arith.constant 0 : index
    %swap3A_1065 = vector.load %arg21[%swap3A_1063, %swap3A_1064] : memref<5120x4xbf16, #tpu.memory_space<vmem>>, vector<150x4xbf16>
    tpu.vector_store %arg21[%swap3A_1063, %swap3A_1064], %convert_element_type3A_1062 {strides = array<i32>} : memref<5120x4xbf16, #tpu.memory_space<vmem>>, vector<150x4xbf16>,
    %get3A_1066 = arith.constant 30 : index
    %get3A_1067 = arith.constant 0 : index
    %get3A_1068 = vector.load %arg3[%get3A_1066, %get3A_1067] : memref<32x150xi32, #tpu.memory_space<vmem>>, vector<1x150xi32>
    %iota3A_1069 = tpu.iota {dimensions = array<i32: 0>} : vector<128x150xi32>
    %eq3A_1070 = vector.broadcast %get3A_1068 : vector<1x150xi32> to vector<128x150xi32>
    %eq3A_1071 = arith.cmpi eq, %eq3A_1070, %iota3A_1069 : vector<128x150xi32>
    %convert_element_type3A_1072 = arith.extui %eq3A_1071 : vector<128x150xi1> to vector<128x150xi32>
    %convert_element_type3A_1073 = arith.sitofp %convert_element_type3A_1072 : vector<128x150xi32> to vector<128x150xf32>
    %convert_element_type3A_1074 = arith.truncf %convert_element_type3A_1073 : vector<128x150xf32> to vector<128x150xbf16>
    %get3A_1075 = arith.constant 0 : index
    %get3A_1076 = arith.constant 0 : index
    %get3A_1077 = vector.load %arg19[%get3A_1075, %get3A_1076] : memref<128x256xbf16, #tpu.memory_space<vmem>>, vector<128x256xbf16>
    %dot_general3A_1078 = arith.constant dense<0.000000e+00> : vector<150x256xf32>
    %dot_general3A_1079 = tpu.matmul %convert_element_type3A_1074, %get3A_1077, %dot_general3A_1078 {dimension_numbers = #tpu.dot_dimension_numbers<[0], [0], [1], [1], [0, 1, 1, 1], [], []>, transpose_lhs_hint = false} : vector<128x150xbf16>, vector<128x256xbf16>, vector<150x256xf32> -> vector<150x256xf32>
    %swap3A_1080 = arith.constant 4800 : index
    %swap3A_1081 = arith.constant 0 : index
    %swap3A_1082 = vector.load %arg22[%swap3A_1080, %swap3A_1081] : memref<5120x256xf32, #tpu.memory_space<vmem>>, vector<150x256xf32>
    tpu.vector_store %arg22[%swap3A_1080, %swap3A_1081], %dot_general3A_1079 {strides = array<i32>} : memref<5120x256xf32, #tpu.memory_space<vmem>>, vector<150x256xf32>,
    %get3A_1083 = arith.constant 31 : index
    %get3A_1084 = arith.constant 0 : index
    %get3A_1085 = arith.constant 0 : index
    %get3A_1086 = vector.load %arg1[%get3A_1083, %get3A_1084, %get3A_1085] : memref<32x150x6xf32, #tpu.memory_space<vmem>>, vector<1x150x6xf32>
    %get3A_1087 = vector.shape_cast %get3A_1086 : vector<1x150x6xf32> to vector<150x6xf32>
    %convert_element_type3A_1088 = arith.truncf %get3A_1087 : vector<150x6xf32> to vector<150x6xbf16>
    %swap3A_1089 = arith.constant 4960 : index
    %swap3A_1090 = arith.constant 0 : index
    %swap3A_1091 = vector.load %arg20[%swap3A_1089, %swap3A_1090] : memref<5120x6xbf16, #tpu.memory_space<vmem>>, vector<150x6xbf16>
    tpu.vector_store %arg20[%swap3A_1089, %swap3A_1090], %convert_element_type3A_1088 {strides = array<i32>} : memref<5120x6xbf16, #tpu.memory_space<vmem>>, vector<150x6xbf16>,
    %get3A_1092 = arith.constant 31 : index
    %get3A_1093 = arith.constant 0 : index
    %get3A_1094 = arith.constant 0 : index
    %get3A_1095 = vector.load %arg2[%get3A_1092, %get3A_1093, %get3A_1094] : memref<32x150x4xf32, #tpu.memory_space<vmem>>, vector<1x150x4xf32>
    %get3A_1096 = vector.shape_cast %get3A_1095 : vector<1x150x4xf32> to vector<150x4xf32>
    %convert_element_type3A_1097 = arith.truncf %get3A_1096 : vector<150x4xf32> to vector<150x4xbf16>
    %swap3A_1098 = arith.constant 4960 : index
    %swap3A_1099 = arith.constant 0 : index
    %swap3A_1100 = vector.load %arg21[%swap3A_1098, %swap3A_1099] : memref<5120x4xbf16, #tpu.memory_space<vmem>>, vector<150x4xbf16>
    tpu.vector_store %arg21[%swap3A_1098, %swap3A_1099], %convert_element_type3A_1097 {strides = array<i32>} : memref<5120x4xbf16, #tpu.memory_space<vmem>>, vector<150x4xbf16>,
    %get3A_1101 = arith.constant 31 : index
    %get3A_1102 = arith.constant 0 : index
    %get3A_1103 = vector.load %arg3[%get3A_1101, %get3A_1102] : memref<32x150xi32, #tpu.memory_space<vmem>>, vector<1x150xi32>
    %iota3A_1104 = tpu.iota {dimensions = array<i32: 0>} : vector<128x150xi32>
    %eq3A_1105 = vector.broadcast %get3A_1103 : vector<1x150xi32> to vector<128x150xi32>
    %eq3A_1106 = arith.cmpi eq, %eq3A_1105, %iota3A_1104 : vector<128x150xi32>
    %convert_element_type3A_1107 = arith.extui %eq3A_1106 : vector<128x150xi1> to vector<128x150xi32>
    %convert_element_type3A_1108 = arith.sitofp %convert_element_type3A_1107 : vector<128x150xi32> to vector<128x150xf32>
    %convert_element_type3A_1109 = arith.truncf %convert_element_type3A_1108 : vector<128x150xf32> to vector<128x150xbf16>
    %get3A_1110 = arith.constant 0 : index
    %get3A_1111 = arith.constant 0 : index
    %get3A_1112 = vector.load %arg19[%get3A_1110, %get3A_1111] : memref<128x256xbf16, #tpu.memory_space<vmem>>, vector<128x256xbf16>
    %dot_general3A_1113 = arith.constant dense<0.000000e+00> : vector<150x256xf32>
    %dot_general3A_1114 = tpu.matmul %convert_element_type3A_1109, %get3A_1112, %dot_general3A_1113 {dimension_numbers = #tpu.dot_dimension_numbers<[0], [0], [1], [1], [0, 1, 1, 1], [], []>, transpose_lhs_hint = false} : vector<128x150xbf16>, vector<128x256xbf16>, vector<150x256xf32> -> vector<150x256xf32>
    %swap3A_1115 = arith.constant 4960 : index
    %swap3A_1116 = arith.constant 0 : index
    %swap3A_1117 = vector.load %arg22[%swap3A_1115, %swap3A_1116] : memref<5120x256xf32, #tpu.memory_space<vmem>>, vector<150x256xf32>
    tpu.vector_store %arg22[%swap3A_1115, %swap3A_1116], %dot_general3A_1114 {strides = array<i32>} : memref<5120x256xf32, #tpu.memory_space<vmem>>, vector<150x256xf32>,
    %get3A_1118 = arith.constant 0 : index
    %get3A_1119 = arith.constant 0 : index
    %get3A_1120 = vector.load %arg20[%get3A_1118, %get3A_1119] : memref<5120x6xbf16, #tpu.memory_space<vmem>>, vector<5120x6xbf16>
    %get3A_1121 = arith.constant 0 : index
    %get3A_1122 = arith.constant 0 : index
    %get3A_1123 = vector.load %arg5[%get3A_1121, %get3A_1122] : memref<6x128xbf16, #tpu.memory_space<vmem>>, vector<6x128xbf16>
    %dot_general3A_1124 = arith.constant dense<0.000000e+00> : vector<5120x128xf32>
    %dot_general3A_1125 = tpu.matmul %get3A_1120, %get3A_1123, %dot_general3A_1124 {dimension_numbers = #tpu.dot_dimension_numbers<[1], [0], [0], [1], [0, 0, 1, 1], [], []>, transpose_lhs_hint = false} : vector<5120x6xbf16>, vector<6x128xbf16>, vector<5120x128xf32> -> vector<5120x128xf32>
    %get3A_1126 = arith.constant 0 : index
    %get3A_1127 = arith.constant 0 : index
    %get3A_1128 = vector.load %arg6[%get3A_1126, %get3A_1127] : memref<1x128xf32, #tpu.memory_space<vmem>>, vector<1x128xf32>
    %add3A = vector.broadcast %get3A_1128 : vector<1x128xf32> to vector<5120x128xf32>
    %add3A_1129 = arith.addf %dot_general3A_1125, %add3A : vector<5120x128xf32>
    %max3A = arith.constant 0.000000e+00 : f32
    %max3A_1130 = vector.broadcast %max3A : f32 to vector<5120x128xf32>
    %max3A_1131 = arith.maximumf %add3A_1129, %max3A_1130 : vector<5120x128xf32>
    %get3A_1132 = arith.constant 0 : index
    %get3A_1133 = arith.constant 0 : index
    %get3A_1134 = vector.load %arg7[%get3A_1132, %get3A_1133] : memref<128x128xbf16, #tpu.memory_space<vmem>>, vector<128x128xbf16>
    %convert_element_type3A_1135 = arith.truncf %max3A_1131 : vector<5120x128xf32> to vector<5120x128xbf16>
    %dot_general3A_1136 = arith.constant dense<0.000000e+00> : vector<5120x128xf32>
    %dot_general3A_1137 = tpu.matmul %convert_element_type3A_1135, %get3A_1134, %dot_general3A_1136 {dimension_numbers = #tpu.dot_dimension_numbers<[1], [0], [0], [1], [0, 0, 1, 1], [], []>, transpose_lhs_hint = false} : vector<5120x128xbf16>, vector<128x128xbf16>, vector<5120x128xf32> -> vector<5120x128xf32>
    %get3A_1138 = arith.constant 0 : index
    %get3A_1139 = arith.constant 0 : index
    %get3A_1140 = vector.load %arg8[%get3A_1138, %get3A_1139] : memref<1x128xf32, #tpu.memory_space<vmem>>, vector<1x128xf32>
    %add3A_1141 = vector.broadcast %get3A_1140 : vector<1x128xf32> to vector<5120x128xf32>
    %add3A_1142 = arith.addf %dot_general3A_1137, %add3A_1141 : vector<5120x128xf32>
    %get3A_1143 = arith.constant 0 : index
    %get3A_1144 = arith.constant 0 : index
    %get3A_1145 = vector.load %arg21[%get3A_1143, %get3A_1144] : memref<5120x4xbf16, #tpu.memory_space<vmem>>, vector<5120x4xbf16>
    %get3A_1146 = arith.constant 0 : index
    %get3A_1147 = arith.constant 0 : index
    %get3A_1148 = vector.load %arg9[%get3A_1146, %get3A_1147] : memref<4x128xbf16, #tpu.memory_space<vmem>>, vector<4x128xbf16>
    %dot_general3A_1149 = arith.constant dense<0.000000e+00> : vector<5120x128xf32>
    %dot_general3A_1150 = tpu.matmul %get3A_1145, %get3A_1148, %dot_general3A_1149 {dimension_numbers = #tpu.dot_dimension_numbers<[1], [0], [0], [1], [0, 0, 1, 1], [], []>, transpose_lhs_hint = false} : vector<5120x4xbf16>, vector<4x128xbf16>, vector<5120x128xf32> -> vector<5120x128xf32>
    %get3A_1151 = arith.constant 0 : index
    %get3A_1152 = arith.constant 0 : index
    %get3A_1153 = vector.load %arg10[%get3A_1151, %get3A_1152] : memref<1x128xf32, #tpu.memory_space<vmem>>, vector<1x128xf32>
    %add3A_1154 = vector.broadcast %get3A_1153 : vector<1x128xf32> to vector<5120x128xf32>
    %add3A_1155 = arith.addf %dot_general3A_1150, %add3A_1154 : vector<5120x128xf32>
    %get3A_1156 = arith.constant 0 : index
    %get3A_1157 = arith.constant 0 : index
    %get3A_1158 = vector.load %arg22[%get3A_1156, %get3A_1157] : memref<5120x256xf32, #tpu.memory_space<vmem>>, vector<5120x256xf32>
    %max3A_1159 = arith.constant 0.000000e+00 : f32
    %max3A_1160 = vector.broadcast %max3A_1159 : f32 to vector<5120x128xf32>
    %max3A_1161 = arith.maximumf %add3A_1142, %max3A_1160 : vector<5120x128xf32>
    %get3A_1162 = arith.constant 0 : index
    %get3A_1163 = arith.constant 0 : index
    %get3A_1164 = vector.load %arg12[%get3A_1162, %get3A_1163] : memref<128x256xbf16, #tpu.memory_space<vmem>>, vector<128x256xbf16>
    %convert_element_type3A_1165 = arith.truncf %max3A_1161 : vector<5120x128xf32> to vector<5120x128xbf16>
    %dot_general3A_1166 = arith.constant dense<0.000000e+00> : vector<5120x256xf32>
    %dot_general3A_1167 = tpu.matmul %convert_element_type3A_1165, %get3A_1164, %dot_general3A_1166 {dimension_numbers = #tpu.dot_dimension_numbers<[1], [0], [0], [1], [0, 0, 1, 1], [], []>, transpose_lhs_hint = false} : vector<5120x128xbf16>, vector<128x256xbf16>, vector<5120x256xf32> -> vector<5120x256xf32>
    %add3A_1168 = arith.addf %get3A_1158, %dot_general3A_1167 : vector<5120x256xf32>
    %max3A_1169 = arith.constant 0.000000e+00 : f32
    %max3A_1170 = vector.broadcast %max3A_1169 : f32 to vector<5120x128xf32>
    %max3A_1171 = arith.maximumf %add3A_1155, %max3A_1170 : vector<5120x128xf32>
    %get3A_1172 = arith.constant 0 : index
    %get3A_1173 = arith.constant 0 : index
    %get3A_1174 = vector.load %arg13[%get3A_1172, %get3A_1173] : memref<128x256xbf16, #tpu.memory_space<vmem>>, vector<128x256xbf16>
    %convert_element_type3A_1175 = arith.truncf %max3A_1171 : vector<5120x128xf32> to vector<5120x128xbf16>
    %dot_general3A_1176 = arith.constant dense<0.000000e+00> : vector<5120x256xf32>
    %dot_general3A_1177 = tpu.matmul %convert_element_type3A_1175, %get3A_1174, %dot_general3A_1176 {dimension_numbers = #tpu.dot_dimension_numbers<[1], [0], [0], [1], [0, 0, 1, 1], [], []>, transpose_lhs_hint = false} : vector<5120x128xbf16>, vector<128x256xbf16>, vector<5120x256xf32> -> vector<5120x256xf32>
    %add3A_1178 = arith.addf %add3A_1168, %dot_general3A_1177 : vector<5120x256xf32>
    %get3A_1179 = arith.constant 0 : index
    %get3A_1180 = arith.constant 0 : index
    %get3A_1181 = vector.load %arg14[%get3A_1179, %get3A_1180] : memref<1x256xf32, #tpu.memory_space<vmem>>, vector<1x256xf32>
    %add3A_1182 = vector.broadcast %get3A_1181 : vector<1x256xf32> to vector<5120x256xf32>
    %add3A_1183 = arith.addf %add3A_1178, %add3A_1182 : vector<5120x256xf32>
    %get3A_1184 = arith.constant 0 : index
    %get3A_1185 = arith.constant 0 : index
    %get3A_1186 = vector.load %arg16[%get3A_1184, %get3A_1185] : memref<256x256xbf16, #tpu.memory_space<vmem>>, vector<256x256xbf16>
    %convert_element_type3A_1187 = arith.truncf %add3A_1183 : vector<5120x256xf32> to vector<5120x256xbf16>
    %dot_general3A_1188 = arith.constant dense<0.000000e+00> : vector<5120x256xf32>
    %dot_general3A_1189 = tpu.matmul %convert_element_type3A_1187, %get3A_1186, %dot_general3A_1188 {dimension_numbers = #tpu.dot_dimension_numbers<[1], [0], [0], [1], [0, 0, 1, 1], [], []>, transpose_lhs_hint = false} : vector<5120x256xbf16>, vector<256x256xbf16>, vector<5120x256xf32> -> vector<5120x256xf32>
    %get3A_1190 = arith.constant 0 : index
    %get3A_1191 = arith.constant 0 : index
    %get3A_1192 = vector.load %arg17[%get3A_1190, %get3A_1191] : memref<1x256xf32, #tpu.memory_space<vmem>>, vector<1x256xf32>
    %add3A_1193 = vector.broadcast %get3A_1192 : vector<1x256xf32> to vector<5120x256xf32>
    %add3A_1194 = arith.addf %dot_general3A_1189, %add3A_1193 : vector<5120x256xf32>
    %max3A_1195 = arith.constant 0.000000e+00 : f32
    %max3A_1196 = vector.broadcast %max3A_1195 : f32 to vector<5120x256xf32>
    %max3A_1197 = arith.maximumf %add3A_1194, %max3A_1196 : vector<5120x256xf32>
    %get3A_1198 = arith.constant 0 : index
    %get3A_1199 = arith.constant 0 : index
    %get3A_1200 = vector.load %arg15[%get3A_1198, %get3A_1199] : memref<256x256xbf16, #tpu.memory_space<vmem>>, vector<256x256xbf16>
    %convert_element_type3A_1201 = arith.truncf %max3A_1197 : vector<5120x256xf32> to vector<5120x256xbf16>
    %dot_general3A_1202 = arith.constant dense<0.000000e+00> : vector<5120x256xf32>
    %dot_general3A_1203 = tpu.matmul %convert_element_type3A_1201, %get3A_1200, %dot_general3A_1202 {dimension_numbers = #tpu.dot_dimension_numbers<[1], [0], [0], [1], [0, 0, 1, 1], [], []>, transpose_lhs_hint = false} : vector<5120x256xbf16>, vector<256x256xbf16>, vector<5120x256xf32> -> vector<5120x256xf32>
    %add3A_1204 = arith.addf %dot_general3A_1203, %add3A_1194 : vector<5120x256xf32>
    %max3A_1205 = arith.constant 0.000000e+00 : f32
    %max3A_1206 = vector.broadcast %max3A_1205 : f32 to vector<5120x256xf32>
    %max3A_1207 = arith.maximumf %add3A_1204, %max3A_1206 : vector<5120x256xf32>
    %get3A_1208 = arith.constant 0 : index
    %get3A_1209 = arith.constant 0 : index
    %get3A_1210 = vector.load %arg15[%get3A_1208, %get3A_1209] : memref<256x256xbf16, #tpu.memory_space<vmem>>, vector<256x256xbf16>
    %convert_element_type3A_1211 = arith.truncf %max3A_1207 : vector<5120x256xf32> to vector<5120x256xbf16>
    %dot_general3A_1212 = arith.constant dense<0.000000e+00> : vector<5120x256xf32>
    %dot_general3A_1213 = tpu.matmul %convert_element_type3A_1211, %get3A_1210, %dot_general3A_1212 {dimension_numbers = #tpu.dot_dimension_numbers<[1], [0], [0], [1], [0, 0, 1, 1], [], []>, transpose_lhs_hint = false} : vector<5120x256xbf16>, vector<256x256xbf16>, vector<5120x256xf32> -> vector<5120x256xf32>
    %add3A_1214 = arith.addf %dot_general3A_1213, %add3A_1194 : vector<5120x256xf32>
    %max3A_1215 = arith.constant 0.000000e+00 : f32
    %max3A_1216 = vector.broadcast %max3A_1215 : f32 to vector<5120x256xf32>
    %max3A_1217 = arith.maximumf %add3A_1214, %max3A_1216 : vector<5120x256xf32>
    %slice3A = vector.extract_strided_slice %max3A_1217 {offsets = [0, 0], sizes = [150, 256], strides = [1, 1]} : vector<5120x256xf32> to vector<150x256xf32>
    %swap3A_1218 = arith.constant 0 : index
    %swap3A_1219 = arith.constant 0 : index
    %swap3A_1220 = arith.constant 0 : index
    %swap3A_1221 = vector.load %arg18[%swap3A_1218, %swap3A_1219, %swap3A_1220] : memref<32x150x256xf32, #tpu.memory_space<vmem>>, vector<1x150x256xf32>
    %swap3A_1222 = vector.shape_cast %swap3A_1221 : vector<1x150x256xf32> to vector<150x256xf32>
    %swap3A_1223 = vector.shape_cast %slice3A : vector<150x256xf32> to vector<1x150x256xf32>
    tpu.vector_store %arg18[%swap3A_1218, %swap3A_1219, %swap3A_1220], %swap3A_1223 {strides = array<i32>} : memref<32x150x256xf32, #tpu.memory_space<vmem>>, vector<1x150x256xf32>,
    %slice3A_1224 = vector.extract_strided_slice %max3A_1217 {offsets = [160, 0], sizes = [150, 256], strides = [1, 1]} : vector<5120x256xf32> to vector<150x256xf32>
    %swap3A_1225 = arith.constant 1 : index
    %swap3A_1226 = arith.constant 0 : index
    %swap3A_1227 = arith.constant 0 : index
    %swap3A_1228 = vector.load %arg18[%swap3A_1225, %swap3A_1226, %swap3A_1227] : memref<32x150x256xf32, #tpu.memory_space<vmem>>, vector<1x150x256xf32>
    %swap3A_1229 = vector.shape_cast %swap3A_1228 : vector<1x150x256xf32> to vector<150x256xf32>
    %swap3A_1230 = vector.shape_cast %slice3A_1224 : vector<150x256xf32> to vector<1x150x256xf32>
    tpu.vector_store %arg18[%swap3A_1225, %swap3A_1226, %swap3A_1227], %swap3A_1230 {strides = array<i32>} : memref<32x150x256xf32, #tpu.memory_space<vmem>>, vector<1x150x256xf32>,
    %slice3A_1231 = vector.extract_strided_slice %max3A_1217 {offsets = [320, 0], sizes = [150, 256], strides = [1, 1]} : vector<5120x256xf32> to vector<150x256xf32>
    %swap3A_1232 = arith.constant 2 : index
    %swap3A_1233 = arith.constant 0 : index
    %swap3A_1234 = arith.constant 0 : index
    %swap3A_1235 = vector.load %arg18[%swap3A_1232, %swap3A_1233, %swap3A_1234] : memref<32x150x256xf32, #tpu.memory_space<vmem>>, vector<1x150x256xf32>
    %swap3A_1236 = vector.shape_cast %swap3A_1235 : vector<1x150x256xf32> to vector<150x256xf32>
    %swap3A_1237 = vector.shape_cast %slice3A_1231 : vector<150x256xf32> to vector<1x150x256xf32>
    tpu.vector_store %arg18[%swap3A_1232, %swap3A_1233, %swap3A_1234], %swap3A_1237 {strides = array<i32>} : memref<32x150x256xf32, #tpu.memory_space<vmem>>, vector<1x150x256xf32>,
    %slice3A_1238 = vector.extract_strided_slice %max3A_1217 {offsets = [480, 0], sizes = [150, 256], strides = [1, 1]} : vector<5120x256xf32> to vector<150x256xf32>
    %swap3A_1239 = arith.constant 3 : index
    %swap3A_1240 = arith.constant 0 : index
    %swap3A_1241 = arith.constant 0 : index
    %swap3A_1242 = vector.load %arg18[%swap3A_1239, %swap3A_1240, %swap3A_1241] : memref<32x150x256xf32, #tpu.memory_space<vmem>>, vector<1x150x256xf32>
    %swap3A_1243 = vector.shape_cast %swap3A_1242 : vector<1x150x256xf32> to vector<150x256xf32>
    %swap3A_1244 = vector.shape_cast %slice3A_1238 : vector<150x256xf32> to vector<1x150x256xf32>
    tpu.vector_store %arg18[%swap3A_1239, %swap3A_1240, %swap3A_1241], %swap3A_1244 {strides = array<i32>} : memref<32x150x256xf32, #tpu.memory_space<vmem>>, vector<1x150x256xf32>,
    %slice3A_1245 = vector.extract_strided_slice %max3A_1217 {offsets = [640, 0], sizes = [150, 256], strides = [1, 1]} : vector<5120x256xf32> to vector<150x256xf32>
    %swap3A_1246 = arith.constant 4 : index
    %swap3A_1247 = arith.constant 0 : index
    %swap3A_1248 = arith.constant 0 : index
    %swap3A_1249 = vector.load %arg18[%swap3A_1246, %swap3A_1247, %swap3A_1248] : memref<32x150x256xf32, #tpu.memory_space<vmem>>, vector<1x150x256xf32>
    %swap3A_1250 = vector.shape_cast %swap3A_1249 : vector<1x150x256xf32> to vector<150x256xf32>
    %swap3A_1251 = vector.shape_cast %slice3A_1245 : vector<150x256xf32> to vector<1x150x256xf32>
    tpu.vector_store %arg18[%swap3A_1246, %swap3A_1247, %swap3A_1248], %swap3A_1251 {strides = array<i32>} : memref<32x150x256xf32, #tpu.memory_space<vmem>>, vector<1x150x256xf32>,
    %slice3A_1252 = vector.extract_strided_slice %max3A_1217 {offsets = [800, 0], sizes = [150, 256], strides = [1, 1]} : vector<5120x256xf32> to vector<150x256xf32>
    %swap3A_1253 = arith.constant 5 : index
    %swap3A_1254 = arith.constant 0 : index
    %swap3A_1255 = arith.constant 0 : index
    %swap3A_1256 = vector.load %arg18[%swap3A_1253, %swap3A_1254, %swap3A_1255] : memref<32x150x256xf32, #tpu.memory_space<vmem>>, vector<1x150x256xf32>
    %swap3A_1257 = vector.shape_cast %swap3A_1256 : vector<1x150x256xf32> to vector<150x256xf32>
    %swap3A_1258 = vector.shape_cast %slice3A_1252 : vector<150x256xf32> to vector<1x150x256xf32>
    tpu.vector_store %arg18[%swap3A_1253, %swap3A_1254, %swap3A_1255], %swap3A_1258 {strides = array<i32>} : memref<32x150x256xf32, #tpu.memory_space<vmem>>, vector<1x150x256xf32>,
    %slice3A_1259 = vector.extract_strided_slice %max3A_1217 {offsets = [960, 0], sizes = [150, 256], strides = [1, 1]} : vector<5120x256xf32> to vector<150x256xf32>
    %swap3A_1260 = arith.constant 6 : index
    %swap3A_1261 = arith.constant 0 : index
    %swap3A_1262 = arith.constant 0 : index
    %swap3A_1263 = vector.load %arg18[%swap3A_1260, %swap3A_1261, %swap3A_1262] : memref<32x150x256xf32, #tpu.memory_space<vmem>>, vector<1x150x256xf32>
    %swap3A_1264 = vector.shape_cast %swap3A_1263 : vector<1x150x256xf32> to vector<150x256xf32>
    %swap3A_1265 = vector.shape_cast %slice3A_1259 : vector<150x256xf32> to vector<1x150x256xf32>
    tpu.vector_store %arg18[%swap3A_1260, %swap3A_1261, %swap3A_1262], %swap3A_1265 {strides = array<i32>} : memref<32x150x256xf32, #tpu.memory_space<vmem>>, vector<1x150x256xf32>,
    %slice3A_1266 = vector.extract_strided_slice %max3A_1217 {offsets = [1120, 0], sizes = [150, 256], strides = [1, 1]} : vector<5120x256xf32> to vector<150x256xf32>
    %swap3A_1267 = arith.constant 7 : index
    %swap3A_1268 = arith.constant 0 : index
    %swap3A_1269 = arith.constant 0 : index
    %swap3A_1270 = vector.load %arg18[%swap3A_1267, %swap3A_1268, %swap3A_1269] : memref<32x150x256xf32, #tpu.memory_space<vmem>>, vector<1x150x256xf32>
    %swap3A_1271 = vector.shape_cast %swap3A_1270 : vector<1x150x256xf32> to vector<150x256xf32>
    %swap3A_1272 = vector.shape_cast %slice3A_1266 : vector<150x256xf32> to vector<1x150x256xf32>
    tpu.vector_store %arg18[%swap3A_1267, %swap3A_1268, %swap3A_1269], %swap3A_1272 {strides = array<i32>} : memref<32x150x256xf32, #tpu.memory_space<vmem>>, vector<1x150x256xf32>,
    %slice3A_1273 = vector.extract_strided_slice %max3A_1217 {offsets = [1280, 0], sizes = [150, 256], strides = [1, 1]} : vector<5120x256xf32> to vector<150x256xf32>
    %swap3A_1274 = arith.constant 8 : index
    %swap3A_1275 = arith.constant 0 : index
    %swap3A_1276 = arith.constant 0 : index
    %swap3A_1277 = vector.load %arg18[%swap3A_1274, %swap3A_1275, %swap3A_1276] : memref<32x150x256xf32, #tpu.memory_space<vmem>>, vector<1x150x256xf32>
    %swap3A_1278 = vector.shape_cast %swap3A_1277 : vector<1x150x256xf32> to vector<150x256xf32>
    %swap3A_1279 = vector.shape_cast %slice3A_1273 : vector<150x256xf32> to vector<1x150x256xf32>
    tpu.vector_store %arg18[%swap3A_1274, %swap3A_1275, %swap3A_1276], %swap3A_1279 {strides = array<i32>} : memref<32x150x256xf32, #tpu.memory_space<vmem>>, vector<1x150x256xf32>,
    %slice3A_1280 = vector.extract_strided_slice %max3A_1217 {offsets = [1440, 0], sizes = [150, 256], strides = [1, 1]} : vector<5120x256xf32> to vector<150x256xf32>
    %swap3A_1281 = arith.constant 9 : index
    %swap3A_1282 = arith.constant 0 : index
    %swap3A_1283 = arith.constant 0 : index
    %swap3A_1284 = vector.load %arg18[%swap3A_1281, %swap3A_1282, %swap3A_1283] : memref<32x150x256xf32, #tpu.memory_space<vmem>>, vector<1x150x256xf32>
    %swap3A_1285 = vector.shape_cast %swap3A_1284 : vector<1x150x256xf32> to vector<150x256xf32>
    %swap3A_1286 = vector.shape_cast %slice3A_1280 : vector<150x256xf32> to vector<1x150x256xf32>
    tpu.vector_store %arg18[%swap3A_1281, %swap3A_1282, %swap3A_1283], %swap3A_1286 {strides = array<i32>} : memref<32x150x256xf32, #tpu.memory_space<vmem>>, vector<1x150x256xf32>,
    %slice3A_1287 = vector.extract_strided_slice %max3A_1217 {offsets = [1600, 0], sizes = [150, 256], strides = [1, 1]} : vector<5120x256xf32> to vector<150x256xf32>
    %swap3A_1288 = arith.constant 10 : index
    %swap3A_1289 = arith.constant 0 : index
    %swap3A_1290 = arith.constant 0 : index
    %swap3A_1291 = vector.load %arg18[%swap3A_1288, %swap3A_1289, %swap3A_1290] : memref<32x150x256xf32, #tpu.memory_space<vmem>>, vector<1x150x256xf32>
    %swap3A_1292 = vector.shape_cast %swap3A_1291 : vector<1x150x256xf32> to vector<150x256xf32>
    %swap3A_1293 = vector.shape_cast %slice3A_1287 : vector<150x256xf32> to vector<1x150x256xf32>
    tpu.vector_store %arg18[%swap3A_1288, %swap3A_1289, %swap3A_1290], %swap3A_1293 {strides = array<i32>} : memref<32x150x256xf32, #tpu.memory_space<vmem>>, vector<1x150x256xf32>,
    %slice3A_1294 = vector.extract_strided_slice %max3A_1217 {offsets = [1760, 0], sizes = [150, 256], strides = [1, 1]} : vector<5120x256xf32> to vector<150x256xf32>
    %swap3A_1295 = arith.constant 11 : index
    %swap3A_1296 = arith.constant 0 : index
    %swap3A_1297 = arith.constant 0 : index
    %swap3A_1298 = vector.load %arg18[%swap3A_1295, %swap3A_1296, %swap3A_1297] : memref<32x150x256xf32, #tpu.memory_space<vmem>>, vector<1x150x256xf32>
    %swap3A_1299 = vector.shape_cast %swap3A_1298 : vector<1x150x256xf32> to vector<150x256xf32>
    %swap3A_1300 = vector.shape_cast %slice3A_1294 : vector<150x256xf32> to vector<1x150x256xf32>
    tpu.vector_store %arg18[%swap3A_1295, %swap3A_1296, %swap3A_1297], %swap3A_1300 {strides = array<i32>} : memref<32x150x256xf32, #tpu.memory_space<vmem>>, vector<1x150x256xf32>,
    %slice3A_1301 = vector.extract_strided_slice %max3A_1217 {offsets = [1920, 0], sizes = [150, 256], strides = [1, 1]} : vector<5120x256xf32> to vector<150x256xf32>
    %swap3A_1302 = arith.constant 12 : index
    %swap3A_1303 = arith.constant 0 : index
    %swap3A_1304 = arith.constant 0 : index
    %swap3A_1305 = vector.load %arg18[%swap3A_1302, %swap3A_1303, %swap3A_1304] : memref<32x150x256xf32, #tpu.memory_space<vmem>>, vector<1x150x256xf32>
    %swap3A_1306 = vector.shape_cast %swap3A_1305 : vector<1x150x256xf32> to vector<150x256xf32>
    %swap3A_1307 = vector.shape_cast %slice3A_1301 : vector<150x256xf32> to vector<1x150x256xf32>
    tpu.vector_store %arg18[%swap3A_1302, %swap3A_1303, %swap3A_1304], %swap3A_1307 {strides = array<i32>} : memref<32x150x256xf32, #tpu.memory_space<vmem>>, vector<1x150x256xf32>,
    %slice3A_1308 = vector.extract_strided_slice %max3A_1217 {offsets = [2080, 0], sizes = [150, 256], strides = [1, 1]} : vector<5120x256xf32> to vector<150x256xf32>
    %swap3A_1309 = arith.constant 13 : index
    %swap3A_1310 = arith.constant 0 : index
    %swap3A_1311 = arith.constant 0 : index
    %swap3A_1312 = vector.load %arg18[%swap3A_1309, %swap3A_1310, %swap3A_1311] : memref<32x150x256xf32, #tpu.memory_space<vmem>>, vector<1x150x256xf32>
    %swap3A_1313 = vector.shape_cast %swap3A_1312 : vector<1x150x256xf32> to vector<150x256xf32>
    %swap3A_1314 = vector.shape_cast %slice3A_1308 : vector<150x256xf32> to vector<1x150x256xf32>
    tpu.vector_store %arg18[%swap3A_1309, %swap3A_1310, %swap3A_1311], %swap3A_1314 {strides = array<i32>} : memref<32x150x256xf32, #tpu.memory_space<vmem>>, vector<1x150x256xf32>,
    %slice3A_1315 = vector.extract_strided_slice %max3A_1217 {offsets = [2240, 0], sizes = [150, 256], strides = [1, 1]} : vector<5120x256xf32> to vector<150x256xf32>
    %swap3A_1316 = arith.constant 14 : index
    %swap3A_1317 = arith.constant 0 : index
    %swap3A_1318 = arith.constant 0 : index
    %swap3A_1319 = vector.load %arg18[%swap3A_1316, %swap3A_1317, %swap3A_1318] : memref<32x150x256xf32, #tpu.memory_space<vmem>>, vector<1x150x256xf32>
    %swap3A_1320 = vector.shape_cast %swap3A_1319 : vector<1x150x256xf32> to vector<150x256xf32>
    %swap3A_1321 = vector.shape_cast %slice3A_1315 : vector<150x256xf32> to vector<1x150x256xf32>
    tpu.vector_store %arg18[%swap3A_1316, %swap3A_1317, %swap3A_1318], %swap3A_1321 {strides = array<i32>} : memref<32x150x256xf32, #tpu.memory_space<vmem>>, vector<1x150x256xf32>,
    %slice3A_1322 = vector.extract_strided_slice %max3A_1217 {offsets = [2400, 0], sizes = [150, 256], strides = [1, 1]} : vector<5120x256xf32> to vector<150x256xf32>
    %swap3A_1323 = arith.constant 15 : index
    %swap3A_1324 = arith.constant 0 : index
    %swap3A_1325 = arith.constant 0 : index
    %swap3A_1326 = vector.load %arg18[%swap3A_1323, %swap3A_1324, %swap3A_1325] : memref<32x150x256xf32, #tpu.memory_space<vmem>>, vector<1x150x256xf32>
    %swap3A_1327 = vector.shape_cast %swap3A_1326 : vector<1x150x256xf32> to vector<150x256xf32>
    %swap3A_1328 = vector.shape_cast %slice3A_1322 : vector<150x256xf32> to vector<1x150x256xf32>
    tpu.vector_store %arg18[%swap3A_1323, %swap3A_1324, %swap3A_1325], %swap3A_1328 {strides = array<i32>} : memref<32x150x256xf32, #tpu.memory_space<vmem>>, vector<1x150x256xf32>,
    %slice3A_1329 = vector.extract_strided_slice %max3A_1217 {offsets = [2560, 0], sizes = [150, 256], strides = [1, 1]} : vector<5120x256xf32> to vector<150x256xf32>
    %swap3A_1330 = arith.constant 16 : index
    %swap3A_1331 = arith.constant 0 : index
    %swap3A_1332 = arith.constant 0 : index
    %swap3A_1333 = vector.load %arg18[%swap3A_1330, %swap3A_1331, %swap3A_1332] : memref<32x150x256xf32, #tpu.memory_space<vmem>>, vector<1x150x256xf32>
    %swap3A_1334 = vector.shape_cast %swap3A_1333 : vector<1x150x256xf32> to vector<150x256xf32>
    %swap3A_1335 = vector.shape_cast %slice3A_1329 : vector<150x256xf32> to vector<1x150x256xf32>
    tpu.vector_store %arg18[%swap3A_1330, %swap3A_1331, %swap3A_1332], %swap3A_1335 {strides = array<i32>} : memref<32x150x256xf32, #tpu.memory_space<vmem>>, vector<1x150x256xf32>,
    %slice3A_1336 = vector.extract_strided_slice %max3A_1217 {offsets = [2720, 0], sizes = [150, 256], strides = [1, 1]} : vector<5120x256xf32> to vector<150x256xf32>
    %swap3A_1337 = arith.constant 17 : index
    %swap3A_1338 = arith.constant 0 : index
    %swap3A_1339 = arith.constant 0 : index
    %swap3A_1340 = vector.load %arg18[%swap3A_1337, %swap3A_1338, %swap3A_1339] : memref<32x150x256xf32, #tpu.memory_space<vmem>>, vector<1x150x256xf32>
    %swap3A_1341 = vector.shape_cast %swap3A_1340 : vector<1x150x256xf32> to vector<150x256xf32>
    %swap3A_1342 = vector.shape_cast %slice3A_1336 : vector<150x256xf32> to vector<1x150x256xf32>
    tpu.vector_store %arg18[%swap3A_1337, %swap3A_1338, %swap3A_1339], %swap3A_1342 {strides = array<i32>} : memref<32x150x256xf32, #tpu.memory_space<vmem>>, vector<1x150x256xf32>,
    %slice3A_1343 = vector.extract_strided_slice %max3A_1217 {offsets = [2880, 0], sizes = [150, 256], strides = [1, 1]} : vector<5120x256xf32> to vector<150x256xf32>
    %swap3A_1344 = arith.constant 18 : index
    %swap3A_1345 = arith.constant 0 : index
    %swap3A_1346 = arith.constant 0 : index
    %swap3A_1347 = vector.load %arg18[%swap3A_1344, %swap3A_1345, %swap3A_1346] : memref<32x150x256xf32, #tpu.memory_space<vmem>>, vector<1x150x256xf32>
    %swap3A_1348 = vector.shape_cast %swap3A_1347 : vector<1x150x256xf32> to vector<150x256xf32>
    %swap3A_1349 = vector.shape_cast %slice3A_1343 : vector<150x256xf32> to vector<1x150x256xf32>
    tpu.vector_store %arg18[%swap3A_1344, %swap3A_1345, %swap3A_1346], %swap3A_1349 {strides = array<i32>} : memref<32x150x256xf32, #tpu.memory_space<vmem>>, vector<1x150x256xf32>,
    %slice3A_1350 = vector.extract_strided_slice %max3A_1217 {offsets = [3040, 0], sizes = [150, 256], strides = [1, 1]} : vector<5120x256xf32> to vector<150x256xf32>
    %swap3A_1351 = arith.constant 19 : index
    %swap3A_1352 = arith.constant 0 : index
    %swap3A_1353 = arith.constant 0 : index
    %swap3A_1354 = vector.load %arg18[%swap3A_1351, %swap3A_1352, %swap3A_1353] : memref<32x150x256xf32, #tpu.memory_space<vmem>>, vector<1x150x256xf32>
    %swap3A_1355 = vector.shape_cast %swap3A_1354 : vector<1x150x256xf32> to vector<150x256xf32>
    %swap3A_1356 = vector.shape_cast %slice3A_1350 : vector<150x256xf32> to vector<1x150x256xf32>
    tpu.vector_store %arg18[%swap3A_1351, %swap3A_1352, %swap3A_1353], %swap3A_1356 {strides = array<i32>} : memref<32x150x256xf32, #tpu.memory_space<vmem>>, vector<1x150x256xf32>,
    %slice3A_1357 = vector.extract_strided_slice %max3A_1217 {offsets = [3200, 0], sizes = [150, 256], strides = [1, 1]} : vector<5120x256xf32> to vector<150x256xf32>
    %swap3A_1358 = arith.constant 20 : index
    %swap3A_1359 = arith.constant 0 : index
    %swap3A_1360 = arith.constant 0 : index
    %swap3A_1361 = vector.load %arg18[%swap3A_1358, %swap3A_1359, %swap3A_1360] : memref<32x150x256xf32, #tpu.memory_space<vmem>>, vector<1x150x256xf32>
    %swap3A_1362 = vector.shape_cast %swap3A_1361 : vector<1x150x256xf32> to vector<150x256xf32>
    %swap3A_1363 = vector.shape_cast %slice3A_1357 : vector<150x256xf32> to vector<1x150x256xf32>
    tpu.vector_store %arg18[%swap3A_1358, %swap3A_1359, %swap3A_1360], %swap3A_1363 {strides = array<i32>} : memref<32x150x256xf32, #tpu.memory_space<vmem>>, vector<1x150x256xf32>,
    %slice3A_1364 = vector.extract_strided_slice %max3A_1217 {offsets = [3360, 0], sizes = [150, 256], strides = [1, 1]} : vector<5120x256xf32> to vector<150x256xf32>
    %swap3A_1365 = arith.constant 21 : index
    %swap3A_1366 = arith.constant 0 : index
    %swap3A_1367 = arith.constant 0 : index
    %swap3A_1368 = vector.load %arg18[%swap3A_1365, %swap3A_1366, %swap3A_1367] : memref<32x150x256xf32, #tpu.memory_space<vmem>>, vector<1x150x256xf32>
    %swap3A_1369 = vector.shape_cast %swap3A_1368 : vector<1x150x256xf32> to vector<150x256xf32>
    %swap3A_1370 = vector.shape_cast %slice3A_1364 : vector<150x256xf32> to vector<1x150x256xf32>
    tpu.vector_store %arg18[%swap3A_1365, %swap3A_1366, %swap3A_1367], %swap3A_1370 {strides = array<i32>} : memref<32x150x256xf32, #tpu.memory_space<vmem>>, vector<1x150x256xf32>,
    %slice3A_1371 = vector.extract_strided_slice %max3A_1217 {offsets = [3520, 0], sizes = [150, 256], strides = [1, 1]} : vector<5120x256xf32> to vector<150x256xf32>
    %swap3A_1372 = arith.constant 22 : index
    %swap3A_1373 = arith.constant 0 : index
    %swap3A_1374 = arith.constant 0 : index
    %swap3A_1375 = vector.load %arg18[%swap3A_1372, %swap3A_1373, %swap3A_1374] : memref<32x150x256xf32, #tpu.memory_space<vmem>>, vector<1x150x256xf32>
    %swap3A_1376 = vector.shape_cast %swap3A_1375 : vector<1x150x256xf32> to vector<150x256xf32>
    %swap3A_1377 = vector.shape_cast %slice3A_1371 : vector<150x256xf32> to vector<1x150x256xf32>
    tpu.vector_store %arg18[%swap3A_1372, %swap3A_1373, %swap3A_1374], %swap3A_1377 {strides = array<i32>} : memref<32x150x256xf32, #tpu.memory_space<vmem>>, vector<1x150x256xf32>,
    %slice3A_1378 = vector.extract_strided_slice %max3A_1217 {offsets = [3680, 0], sizes = [150, 256], strides = [1, 1]} : vector<5120x256xf32> to vector<150x256xf32>
    %swap3A_1379 = arith.constant 23 : index
    %swap3A_1380 = arith.constant 0 : index
    %swap3A_1381 = arith.constant 0 : index
    %swap3A_1382 = vector.load %arg18[%swap3A_1379, %swap3A_1380, %swap3A_1381] : memref<32x150x256xf32, #tpu.memory_space<vmem>>, vector<1x150x256xf32>
    %swap3A_1383 = vector.shape_cast %swap3A_1382 : vector<1x150x256xf32> to vector<150x256xf32>
    %swap3A_1384 = vector.shape_cast %slice3A_1378 : vector<150x256xf32> to vector<1x150x256xf32>
    tpu.vector_store %arg18[%swap3A_1379, %swap3A_1380, %swap3A_1381], %swap3A_1384 {strides = array<i32>} : memref<32x150x256xf32, #tpu.memory_space<vmem>>, vector<1x150x256xf32>,
    %slice3A_1385 = vector.extract_strided_slice %max3A_1217 {offsets = [3840, 0], sizes = [150, 256], strides = [1, 1]} : vector<5120x256xf32> to vector<150x256xf32>
    %swap3A_1386 = arith.constant 24 : index
    %swap3A_1387 = arith.constant 0 : index
    %swap3A_1388 = arith.constant 0 : index
    %swap3A_1389 = vector.load %arg18[%swap3A_1386, %swap3A_1387, %swap3A_1388] : memref<32x150x256xf32, #tpu.memory_space<vmem>>, vector<1x150x256xf32>
    %swap3A_1390 = vector.shape_cast %swap3A_1389 : vector<1x150x256xf32> to vector<150x256xf32>
    %swap3A_1391 = vector.shape_cast %slice3A_1385 : vector<150x256xf32> to vector<1x150x256xf32>
    tpu.vector_store %arg18[%swap3A_1386, %swap3A_1387, %swap3A_1388], %swap3A_1391 {strides = array<i32>} : memref<32x150x256xf32, #tpu.memory_space<vmem>>, vector<1x150x256xf32>,
    %slice3A_1392 = vector.extract_strided_slice %max3A_1217 {offsets = [4000, 0], sizes = [150, 256], strides = [1, 1]} : vector<5120x256xf32> to vector<150x256xf32>
    %swap3A_1393 = arith.constant 25 : index
    %swap3A_1394 = arith.constant 0 : index
    %swap3A_1395 = arith.constant 0 : index
    %swap3A_1396 = vector.load %arg18[%swap3A_1393, %swap3A_1394, %swap3A_1395] : memref<32x150x256xf32, #tpu.memory_space<vmem>>, vector<1x150x256xf32>
    %swap3A_1397 = vector.shape_cast %swap3A_1396 : vector<1x150x256xf32> to vector<150x256xf32>
    %swap3A_1398 = vector.shape_cast %slice3A_1392 : vector<150x256xf32> to vector<1x150x256xf32>
    tpu.vector_store %arg18[%swap3A_1393, %swap3A_1394, %swap3A_1395], %swap3A_1398 {strides = array<i32>} : memref<32x150x256xf32, #tpu.memory_space<vmem>>, vector<1x150x256xf32>,
    %slice3A_1399 = vector.extract_strided_slice %max3A_1217 {offsets = [4160, 0], sizes = [150, 256], strides = [1, 1]} : vector<5120x256xf32> to vector<150x256xf32>
    %swap3A_1400 = arith.constant 26 : index
    %swap3A_1401 = arith.constant 0 : index
    %swap3A_1402 = arith.constant 0 : index
    %swap3A_1403 = vector.load %arg18[%swap3A_1400, %swap3A_1401, %swap3A_1402] : memref<32x150x256xf32, #tpu.memory_space<vmem>>, vector<1x150x256xf32>
    %swap3A_1404 = vector.shape_cast %swap3A_1403 : vector<1x150x256xf32> to vector<150x256xf32>
    %swap3A_1405 = vector.shape_cast %slice3A_1399 : vector<150x256xf32> to vector<1x150x256xf32>
    tpu.vector_store %arg18[%swap3A_1400, %swap3A_1401, %swap3A_1402], %swap3A_1405 {strides = array<i32>} : memref<32x150x256xf32, #tpu.memory_space<vmem>>, vector<1x150x256xf32>,
    %slice3A_1406 = vector.extract_strided_slice %max3A_1217 {offsets = [4320, 0], sizes = [150, 256], strides = [1, 1]} : vector<5120x256xf32> to vector<150x256xf32>
    %swap3A_1407 = arith.constant 27 : index
    %swap3A_1408 = arith.constant 0 : index
    %swap3A_1409 = arith.constant 0 : index
    %swap3A_1410 = vector.load %arg18[%swap3A_1407, %swap3A_1408, %swap3A_1409] : memref<32x150x256xf32, #tpu.memory_space<vmem>>, vector<1x150x256xf32>
    %swap3A_1411 = vector.shape_cast %swap3A_1410 : vector<1x150x256xf32> to vector<150x256xf32>
    %swap3A_1412 = vector.shape_cast %slice3A_1406 : vector<150x256xf32> to vector<1x150x256xf32>
    tpu.vector_store %arg18[%swap3A_1407, %swap3A_1408, %swap3A_1409], %swap3A_1412 {strides = array<i32>} : memref<32x150x256xf32, #tpu.memory_space<vmem>>, vector<1x150x256xf32>,
    %slice3A_1413 = vector.extract_strided_slice %max3A_1217 {offsets = [4480, 0], sizes = [150, 256], strides = [1, 1]} : vector<5120x256xf32> to vector<150x256xf32>
    %swap3A_1414 = arith.constant 28 : index
    %swap3A_1415 = arith.constant 0 : index
    %swap3A_1416 = arith.constant 0 : index
    %swap3A_1417 = vector.load %arg18[%swap3A_1414, %swap3A_1415, %swap3A_1416] : memref<32x150x256xf32, #tpu.memory_space<vmem>>, vector<1x150x256xf32>
    %swap3A_1418 = vector.shape_cast %swap3A_1417 : vector<1x150x256xf32> to vector<150x256xf32>
    %swap3A_1419 = vector.shape_cast %slice3A_1413 : vector<150x256xf32> to vector<1x150x256xf32>
    tpu.vector_store %arg18[%swap3A_1414, %swap3A_1415, %swap3A_1416], %swap3A_1419 {strides = array<i32>} : memref<32x150x256xf32, #tpu.memory_space<vmem>>, vector<1x150x256xf32>,
    %slice3A_1420 = vector.extract_strided_slice %max3A_1217 {offsets = [4640, 0], sizes = [150, 256], strides = [1, 1]} : vector<5120x256xf32> to vector<150x256xf32>
    %swap3A_1421 = arith.constant 29 : index
    %swap3A_1422 = arith.constant 0 : index
    %swap3A_1423 = arith.constant 0 : index
    %swap3A_1424 = vector.load %arg18[%swap3A_1421, %swap3A_1422, %swap3A_1423] : memref<32x150x256xf32, #tpu.memory_space<vmem>>, vector<1x150x256xf32>
    %swap3A_1425 = vector.shape_cast %swap3A_1424 : vector<1x150x256xf32> to vector<150x256xf32>
    %swap3A_1426 = vector.shape_cast %slice3A_1420 : vector<150x256xf32> to vector<1x150x256xf32>
    tpu.vector_store %arg18[%swap3A_1421, %swap3A_1422, %swap3A_1423], %swap3A_1426 {strides = array<i32>} : memref<32x150x256xf32, #tpu.memory_space<vmem>>, vector<1x150x256xf32>,
    %slice3A_1427 = vector.extract_strided_slice %max3A_1217 {offsets = [4800, 0], sizes = [150, 256], strides = [1, 1]} : vector<5120x256xf32> to vector<150x256xf32>
    %swap3A_1428 = arith.constant 30 : index
    %swap3A_1429 = arith.constant 0 : index
    %swap3A_1430 = arith.constant 0 : index
    %swap3A_1431 = vector.load %arg18[%swap3A_1428, %swap3A_1429, %swap3A_1430] : memref<32x150x256xf32, #tpu.memory_space<vmem>>, vector<1x150x256xf32>
    %swap3A_1432 = vector.shape_cast %swap3A_1431 : vector<1x150x256xf32> to vector<150x256xf32>
    %swap3A_1433 = vector.shape_cast %slice3A_1427 : vector<150x256xf32> to vector<1x150x256xf32>
    tpu.vector_store %arg18[%swap3A_1428, %swap3A_1429, %swap3A_1430], %swap3A_1433 {strides = array<i32>} : memref<32x150x256xf32, #tpu.memory_space<vmem>>, vector<1x150x256xf32>,
    %slice3A_1434 = vector.extract_strided_slice %max3A_1217 {offsets = [4960, 0], sizes = [150, 256], strides = [1, 1]} : vector<5120x256xf32> to vector<150x256xf32>
    %swap3A_1435 = arith.constant 31 : index
    %swap3A_1436 = arith.constant 0 : index
    %swap3A_1437 = arith.constant 0 : index
    %swap3A_1438 = vector.load %arg18[%swap3A_1435, %swap3A_1436, %swap3A_1437] : memref<32x150x256xf32, #tpu.memory_space<vmem>>, vector<1x150x256xf32>
    %swap3A_1439 = vector.shape_cast %swap3A_1438 : vector<1x150x256xf32> to vector<150x256xf32>
    %swap3A_1440 = vector.shape_cast %slice3A_1434 : vector<150x256xf32> to vector<1x150x256xf32>
    tpu.vector_store %arg18[%swap3A_1435, %swap3A_1436, %swap3A_1437], %swap3A_1440 {strides = array<i32>} : memref<32x150x256xf32, #tpu.memory_space<vmem>>, vector<1x150x256xf32>,
    return
  }
  func.func @transform_0(%arg0: i32) -> (i32, i32, i32) {
    %c0_i32 = arith.constant 0 : i32
    %c0_i32_0 = arith.constant 0 : i32
    %c0_i32_1 = arith.constant 0 : i32
    return %arg0, %c0_i32, %c0_i32_0 : i32, i32, i32
  }
  func.func @transform_1(%arg0: i32) -> (i32, i32, i32) {
    %c0_i32 = arith.constant 0 : i32
    %c0_i32_0 = arith.constant 0 : i32
    %c0_i32_1 = arith.constant 0 : i32
    return %arg0, %c0_i32, %c0_i32_0 : i32, i32, i32
  }
  func.func @transform_2(%arg0: i32) -> (i32, i32) {
    %c0_i32 = arith.constant 0 : i32
    %c0_i32_0 = arith.constant 0 : i32
    return %arg0, %c0_i32 : i32, i32
  }
  func.func @transform_3(%arg0: i32) -> (i32, i32) {
    %c0_i32 = arith.constant 0 : i32
    %c0_i32_0 = arith.constant 0 : i32
    %c0_i32_1 = arith.constant 0 : i32
    return %c0_i32, %c0_i32_0 : i32, i32
  }
  func.func @transform_4(%arg0: i32) -> (i32, i32) {
    %c0_i32 = arith.constant 0 : i32
    %c0_i32_0 = arith.constant 0 : i32
    %c0_i32_1 = arith.constant 0 : i32
    return %c0_i32, %c0_i32_0 : i32, i32
  }
  func.func @transform_5(%arg0: i32) -> (i32, i32) {
    %c0_i32 = arith.constant 0 : i32
    %c0_i32_0 = arith.constant 0 : i32
    %c0_i32_1 = arith.constant 0 : i32
    return %c0_i32, %c0_i32_0 : i32, i32
  }
  func.func @transform_6(%arg0: i32) -> (i32, i32) {
    %c0_i32 = arith.constant 0 : i32
    %c0_i32_0 = arith.constant 0 : i32
    %c0_i32_1 = arith.constant 0 : i32
    return %c0_i32, %c0_i32_0 : i32, i32
  }
  func.func @transform_7(%arg0: i32) -> (i32, i32) {
    %c0_i32 = arith.constant 0 : i32
    %c0_i32_0 = arith.constant 0 : i32
    %c0_i32_1 = arith.constant 0 : i32
    return %c0_i32, %c0_i32_0 : i32, i32
  }
  func.func @transform_8(%arg0: i32) -> (i32, i32) {
    %c0_i32 = arith.constant 0 : i32
    %c0_i32_0 = arith.constant 0 : i32
    %c0_i32_1 = arith.constant 0 : i32
    return %c0_i32, %c0_i32_0 : i32, i32
  }
  func.func @transform_9(%arg0: i32) -> (i32, i32) {
    %c0_i32 = arith.constant 0 : i32
    %c0_i32_0 = arith.constant 0 : i32
    %c0_i32_1 = arith.constant 0 : i32
    return %c0_i32, %c0_i32_0 : i32, i32
  }
  func.func @transform_10(%arg0: i32) -> (i32, i32) {
    %c0_i32 = arith.constant 0 : i32
    %c0_i32_0 = arith.constant 0 : i32
    %c0_i32_1 = arith.constant 0 : i32
    return %c0_i32, %c0_i32_0 : i32, i32
  }
  func.func @transform_11(%arg0: i32) -> (i32, i32) {
    %c0_i32 = arith.constant 0 : i32
    %c0_i32_0 = arith.constant 0 : i32
    %c0_i32_1 = arith.constant 0 : i32
    return %c0_i32, %c0_i32_0 : i32, i32
  }
  func.func @transform_12(%arg0: i32) -> (i32, i32) {
    %c0_i32 = arith.constant 0 : i32
    %c0_i32_0 = arith.constant 0 : i32
    %c0_i32_1 = arith.constant 0 : i32
    return %c0_i32, %c0_i32_0 : i32, i32
  }
  func.func @transform_13(%arg0: i32) -> (i32, i32) {
    %c0_i32 = arith.constant 0 : i32
    %c0_i32_0 = arith.constant 0 : i32
    %c0_i32_1 = arith.constant 0 : i32
    return %c0_i32, %c0_i32_0 : i32, i32
  }
  func.func @transform_14(%arg0: i32) -> (i32, i32) {
    %c0_i32 = arith.constant 0 : i32
    %c0_i32_0 = arith.constant 0 : i32
    %c0_i32_1 = arith.constant 0 : i32
    return %c0_i32, %c0_i32_0 : i32, i32
  }
  func.func @transform_15(%arg0: i32) -> (i32, i32) {
    %c0_i32 = arith.constant 0 : i32
    %c0_i32_0 = arith.constant 0 : i32
    %c0_i32_1 = arith.constant 0 : i32
    return %c0_i32, %c0_i32_0 : i32, i32
  }
  func.func @transform_16(%arg0: i32) -> (i32, i32) {
    %c0_i32 = arith.constant 0 : i32
    %c0_i32_0 = arith.constant 0 : i32
    %c0_i32_1 = arith.constant 0 : i32
    return %c0_i32, %c0_i32_0 : i32, i32
  }
  func.func @transform_17(%arg0: i32) -> (i32, i32, i32) {
    %c0_i32 = arith.constant 0 : i32
    %c0_i32_0 = arith.constant 0 : i32
    %c0_i32_1 = arith.constant 0 : i32
    return %arg0, %c0_i32, %c0_i32_0 : i32, i32, i32
  }
}

</mosaic_0001>

<sc_bundles>
// kernel: sparse-core-data-format-call.cloned.1.call-start
scs
called_computation_lowered:
.L_overlay_start_0:
0x0: {  	s2 =	sld [smem:$0x3FD9]  }
0x1: {  	s3 =	sld [smem:$0x3FFE];
	_ =	sdelay $0x1  }
0x2: {  	s1 =	srdreg.scid  }
0x3: {  	s0 =	sand.u32 $0x1, s1  }
0x4: {  	s18 =	sshll.u32 s0, $0xA;
	s2 =	sadd.s32 s3, s2  }
0x5: {  	s2 =	sadd.s32 s2, s18  }
0x6: {  	[smem:$0x3FBA] =	sst s2  }
0x7: {  	_ = 	snop  }
0x8: {  	s2 =	sld [smem:$0x3FD0];
	(tm) =	ssettm $0x1  }
0x9: {  	s19 =	sld [smem:$0x3FFB];
	_ =	sdelay $0x3  }
0xa: {  	_ =	strace s19  }
0xb: {  	s3 =	sld [smem:$0x3FFC];
	_ =	sdelay $0x3  }
0xc: {  	_ =	strace s3  }
0xd: {  	s3 =	sld [smem:$0x3FFD];
	_ =	sdelay $0x3  }
0xe: {  	_ =	strace s3  }
0xf: {  	_ =	strace $0x8FFFFFFF  }
0x10: {  	s20 =	sld [smem:$0x3FDB];
	_ =	sdelay $0x1  }
0x11: {  	s4 =	simm.s32 $_scs_section_size  }
0x12: {  	s5 =	simm.s32 $_size__tile_overlayer_lowered;
	s6 =	simm.s32 $_tile_overlayer_lowered  }
0x13: {  	s23 =	simm.s32 $0x1BFF;
	s22 =	sshll.u32 s6, $0x1;
	s3 =	sadd.s32 s4, s20  }
0x14: {  	s7 =	simm.s32 $0x0;
	s21 =	sshll.u32 s5, $0x1;
	s5 =	sadd.s32 s22, s3  }
0x15: {  	[timem:s7], [sflag:s23] =	dma.local [hbm:s5], s21  }
0x16: {  	_ =	swait.ge [sflag:s23], s21  }
0x17: {  	s4 =	ssub.s32 $0x0, s21;
	[sflag:s23] =	ssyncset.done $0x0  }
0x18: {  	[sflag:s23] =	ssyncadd.s32 s4;
	_ =	sdelay $0x1  }
0x19: {  	s24 =	simm.s32 $0x1B8B  }
0x1a: {  	_ =	swait.ge [sflag:s24], $0x1  }
0x1b: {  	[sflag:s24] =	ssyncset.done $0x0  }
0x1c: {  	s26 =	simm.s32 $0x1B8E;
	s25 =	sld [smem:$0x3FFE];
	[sflag:s24] =	ssyncadd.s32 $0xFFFFFFFF  }
0x1d: {  	s27 =	simm.s32 $execute0_lowered;
	[smem:$0x3FD2] =	sst s26  }
0x1e: {  	s5 =	sshll.u32 s27, $0x1;
	_ =	strace $0x80000046;
	[dreg:$0x1] =	wrdreg $0xFFFFFFFF  }
0x1f: {  	s28 =	simm.s32 $_size_execute0_lowered;
	s3 =	sadd.s32 s3, s5;
	[dreg:$0x0] =	wrdreg $0x0  }
0x20: {  	s5 =	sshll.u32 s28, $0x1;
	[dreg:$0x2] =	wrdreg s3  }
0x21: {  	[dreg:$0x3] =	wrdreg s5  }
0x22: {  	[dreg:$0x4] =	wrdreg $0xC0  }
0x23: {  	_ =	task [dreg:s7], $0x5FFFF  }
0x24: {  	[dreg:$0x1] =	wrdreg $0xFFFFFFFF  }
0x25: {  	[dreg:$0x0] =	wrdreg $0x60  }
0x26: {  	[dreg:$0x2] =	wrdreg s25  }
0x27: {  	[dreg:$0x3] =	wrdreg s2  }
0x28: {  	[dreg:$0x4] =	wrdreg $0x9  }
0x29: {  	_ =	task.clear_ibuf [dreg:s7], $0x5FFFF;
	_ =	strace $0x90000046  }
0x2a: {  	s29 =	simm.s32 $0x9;
	_ =	strace $0x80000048  }
0x2b: {  	_ =	swait.ge [sflag:s29], $0x1  }
0x2c: {  	[sflag:s29] =	ssyncadd.s32 $0xFFFFFFFF  }
0x2d: {  	_ =	strace $0x90000048  }
0x2e: {  	_ =	sfence  }
0x2f: {  	s30 =	sld [smem:$0x0];
	_ =	sdelay $0x2  }
0x30: {  	s31 =	sshll.u32 s1, $0xD;
	s1 =	sshrl.u32 s1, $0x2  }
0x31: {  	s3 =	sand.u32 $0x4000, s31;
	s1 =	sadd.s32 s1, s30  }
0x32: {  	s0 =	sor.u32 s3, s0;
	s1 =	sshll.u32 s1, $0x11  }
0x33: {  	s0 =	sor.u32 s1, s0  }
0x34: {  	s0 =	sadd.s32 $0x8F2B, s0  }
0x35: {  	[sflag:s0] =	ssyncadd.remote.s32 $0x1  }
0x36: {  	_ =	sfence.sel $0xFFFF  }
0x37: {  	[dreg:$0x0] =	wrdreg $0xFFFFFFFF;
	(pc) =	sbr.abs _section_cstart, $3  }
0x38: {  	[dreg:$0x1] =	wrdreg $0xFFFFFFFF  }
0x39: {  	_ =	task.clear_ibuf [dreg:s7], $0x2FFFF;
	_ =	strace $0x9FFFFFFF  }
0x3a: {  	(tm) =	ssettm $0x7FFFFFFF  }
0x3b: {  	_ =	shalt  }
tec
execute0_lowered:
.L_overlay_start_1:
0x0: {  	(tag) =	ssettag $0x1  }
0x1: {  	s0 =	srdreg.scid;
	s2 =	rddreg [dreg:$0x0]  }
0x2: {  	_ =	strace $0x80000047;
	s4 =	simm.s32 $0x1;
	s31 =	simm.s32 $0x2  }
0x3: {  	s19 =	simm.s32 $0x0;
	s9 =	simm.s32 $0x1000;
	s0 =	sshll.u32 s0, $0x3  }
0x4: {  	s10 =	simm.s32 $0x0;
	s18 =	simm.s32 $0x0;
	s1 =	sand.u32 $0x8, s0  }
0x5: {  	s20 =	simm.s32 $0x0;
	s11 =	simm.s32 $0x0;
	s0 =	ssub.s32 $0x10, s1  }
0x6: {  	s12 =	simm.s32 $0x0;
	s13 =	simm.s32 $0x0;
	s3 =	sshrl.u32 s0, $0x3  }
.Ltmp0:
0x7: {  	s0 =	sshrl.u32 s0, $0x4;
	s3 =	sand.u32 $0x1, s3;
	(pc) =	sbr.rel .LBB1_1-.Ltmp0, $4  }
0x8: {  	s14 =	simm.s32 $0x0;
	s16 =	stileid.u32;
	s0 =	sadd.s32 s0, s3  }
0x9: {  	s17 =	simm.s32 $0x0;
	[sflag:s4] =	ssyncpa.u1 $0x0;
	s5 =	smul.u32 $0x13, s0  }
0xa: {  	s26 =	simm.s32 $0x0;
	s6 =	sadd.s32 $0x1800, s2;
	[sflag:s31] =	ssyncpa.u1 $0x0  }
0xb: {  	s15 =	smov.u32 s1;
	s3 =	stileid.u32;
	s7 =	sadd.s32 $0x1, s5  }
.LBB1_7:
0xc: {  	p0 =	slt.u32 s17, $0x2;
	s0 =	smov.u32 s20  }
0xd: {  	s8 =	smov.u32 s19;
	p1 =	sgt.s32 @!p0 s20, $0xF;
	s2 =	sshra.s32 @!p0 s20, $0x1F  }
0xe: {  	p2 =	sgt.s32 @!p0 s18, $0x8;
	p1 =	por !p1, p0;
	s2 =	sand.u32 @!p0 s2, s20  }
0xf: {  	p2 =	por !p2, p0;
	s20 =	sshra.s32 @!p0 s18, $0x1F;
	s0 =	simm.s32 @p1 $0xF  }
0x10: {  	p1 =	sgt.s32 @!p0 s19, $0x8E;
	s0 =	ssub.s32 @!p0 s0, s2;
	s2 =	sshra.s32 @!p0 s19, $0x1F  }
0x11: {  	p1 =	por !p1, p0;
	s2 =	sand.u32 @!p0 s2, s19;
	s19 =	smov.u32 s18  }
0x12: {  	s8 =	simm.s32 @p1 $0x8E;
	s18 =	sand.u32 @!p0 s20, s18;
	s19 =	simm.s32 @p2 $0x8  }
0x13: {  	s0 =	sadd.s32 @!p0 $0xFFFFFFF1, s0;
	s2 =	ssub.s32 @!p0 s8, s2;
	s8 =	ssub.s32 @!p0 s19, s18  }
0x14: {  	p1 =	sgt.s32 @!p0 s0, $0x0;
	s0 =	sshll.u32 @!p0 s0, $0x8;
	s19 =	sadd.s32 @!p0 $0xFFFFFFF8, s8  }
0x15: {  	s18 =	sadd.s32 @!p0 $0xFFFFFF72, s2;
	s0 =	ssub.s32 @!p0 $0x100, s0;
	p2 =	sgt.s32 @!p0 s19, $0x7  }
0x16: {  	p1 =	por !p1, p0;
	s8 =	ssub.s32 @!p0 $0x10, s8;
	p2 =	por !p2, p0  }
0x17: {  	s0 =	simm.s32 @!p1 $0x0;
	s8 =	simm.s32 @!p2 $0x0;
	p2 =	sgt.s32 @!p0 s18, $0x7  }
0x18: {  	s2 =	ssub.s32 @!p0 $0x96, s2;
	p1 =	por !p2, p0;
	s0 =	smul.u32 @!p0 s8, s0  }
0x19: {  	s2 =	simm.s32 @!p1 $0x0  }
0x1a: {  	s0 =	smul.u32 @!p0 s2, s0;
	s2 =	sadd.s32 $0x8, s14  }
0x1b: {  	s21 =	smov.u32 s15;
	s8 =	sadd.s32 $0x10, s15;
	p1 =	sgt.s32 s2, $0x95  }
0x1c: {  	s21 =	smov.u32 @p1 s8  }
0x1d: {  	s23 =	smov.u32 s16;
	s8 =	sadd.s32 $0x10, s16;
	p2 =	sgt.s32 s21, $0xF  }
0x1e: {  	s10 =	sadd.s32 $0x4000, s10;
	s22 =	simm.s32 @!p0 $0x2;
	s23 =	smov.u32 @p2 s8  }
0x1f: {  	s20 =	smov.u32 s13;
	s2 =	simm.s32 @p1 $0x0;
	p1 =	sgt.s32 s23, $0xF  }
0x20: {  	s13 =	smov.u32 s16;
	s23 =	smov.u32 @p1 s3;
	p1 =	sne.s32 s17, s7  }
.Ltmp1:
0x21: {  	s19 =	smov.u32 s11;
	s0 =	sand.u32 @!p0 $0x3FFFFF00, s0;
	(pc) =	sbr.rel @!p1 .LBB1_8-.Ltmp1, $4  }
0x22: {  	s11 =	smov.u32 s14;
	s18 =	smov.u32 s12;
	_ =	swait.ge @!p0 [sflag:s22], s0  }
0x23: {  	s12 =	smov.u32 s15;
	s0 =	ssub.s32 @!p0 $0x0, s0;
	[sflag:s22] =	ssyncset.done @!p0 $0x0  }
0x24: {  	s14 =	smov.u32 s2;
	s21 =	smov.u32 @p2 s1;
	[sflag:s22] =	ssyncadd.s32 @!p0 s0  }
0x25: {  	s15 =	smov.u32 s21;
	s17 =	sadd.s32 $0x1, s17;
	s16 =	smov.u32 s23  }
.LBB1_1:
0x26: {  	p0 =	sge.u32 s17, s5  }
0x27: {  	s0 =	sshll.u32 @!p0 s14, $0x8;
	s2 =	sshll.u32 @!p0 s14, $0x7  }
0x28: {  	s0 =	sand.u32 @!p0 $0xFFFFF800, s0;
	s2 =	sand.u32 @!p0 $0x300, s2  }
0x29: {  	s0 =	sor.u32 @!p0 s2, s0  }
0x2a: {  	s0 =	sshrl.u32 @!p0 s0, $0x8  }
0x2b: {  	s2 =	smulhi.u32 @!p0 $0x1AF286C, s0  }
0x2c: {  	s8 =	smul.u32 @!p0 $0x13000, s16  }
0x2d: {  	s2 =	smul.u32 @!p0 $0x98, s2  }
0x2e: {  	s31 =	sadd.s32 $0xFFFFFFFF, s17;
	s21 =	sxor.u32 @!p0 $0xFFFFFFFF, s17;
	s22 =	smul.u32 @!p0 $0x1300, s15  }
0x2f: {  	s8 =	sadd.s32 @!p0 s6, s8;
	s0 =	ssub.s32 @!p0 s0, s2;
	s2 =	sshll.u32 @!p0 s14, $0x4  }
0x30: {  	s21 =	sshll.u32 @!p0 s21, $0xE;
	s8 =	sadd.s32 @!p0 s22, s8;
	s2 =	sand.u32 @!p0 $0x10, s2  }
0x31: {  	s21 =	sand.u32 @!p0 $0x4000, s21;
	s0 =	sshll.u32 @!p0 s0, $0x5;
	s2 =	sadd.s32 @!p0 s2, s8  }
0x32: {  	s8 =	simm.s32 @!p0 $0x9800;
	s0 =	sadd.s32 @!p0 s0, s2;
	s2 =	simm.s32 @!p0 $0x800  }
0x33: {  	[tilespmem:s21], [sflag:$0x1] =	stream.strided.gather @!p0 [hbm4b:s0+s2], $0x4000, s8, s2, $0x38;
	[tilespmem:$0x10000] =	vst v63  }
0x34: {  	p0 =	sge.u32 s31, s5  }
.Ltmp2:
0x35: {  	_ = 	snop;
	(pc) =	sbr.rel @p0 .LBB1_7-.Ltmp2, $1  }
0x36: {  	_ =	sdelay $0x3  }
0x37: {  	s0 =	sshll.u32 s10, $0x2;
	_ =	swait.ge [sflag:s4], $0x4000;
	s2 =	sshll.u32 s17, $0xE  }
0x38: {  	p0 =	por $0x0, $0x0;
	s27 =	simm.s32 $0x0;
	s28 =	simm.s32 $0x0  }
0x39: {  	s0 =	sand.u32 $0x10000, s0;
	[sflag:s4] =	ssyncset.done $0x0;
	s24 =	sand.u32 $0x4000, s2  }
0x3a: {  	s0 =	sshrl.u32 s0, $0x2;
	[sflag:s4] =	ssyncadd.s32 $0xFFFFC000;
	s21 =	sor.u32 $0x8000, s24  }
0x3b: {  	s22 =	sor.u32 $0x40, s0;
	s23 =	sor.u32 $0x8410, s0;
	s25 =	sadd.s32 $0x8400, s0  }
.LBB1_3:
0x3c: {  	v1 =	vld [tilespmem:s22+$0xFFFFFFD0]  }
0x3d: {  	v2 =	vld [tilespmem:s22+$0x430]  }
0x3e: {  	s0 =	sshll.u32 s28, $0xB;
	v4 =	vld [tilespmem:s22+$0xFFFFFFE0]  }
0x3f: {  	v7 =	vld [tilespmem:s22+$0xFFFFFFF0];
	v0 =	vmov s0  }
0x40: {  	v8 =	vld [tilespmem:s22+$0x0]  }
0x41: {  	s8 =	sand.u32 $0x300, s26;
	v9 =	vld [tilespmem:s22+$0x10]  }
0x42: {  	s2 =	sand.u32 $0x80, s26;
	v10 =	vld [tilespmem:s22+$0x20];
	s0 =	sadd.s32 s8, s24  }
0x43: {  	v11 =	vld [tilespmem:s22+$0x30];
	s0 =	sadd.s32 s2, s0;
	s2 =	simm.s32 $0x1;
	[tilespmem:s23+$0x60] =	vst v2  }
0x44: {  	s8 =	sshll.u32 s27, $0x2;
	s2 =	simm.s32 @!p0 $0x0;
	[tilespmem:s23+$0xFFFFFC00] =	vst v1;
	v3 =	vld.idx.msk [tilespmem:v0+s0+$0x400 ss:$0x1], $0xffff  }
0x45: {  	v6 =	vld [tilespmem:s22+$0x3D0];
	s2 =	sshll.u32 s2, $0x9;
	[tilespmem:s23+$0xFFFFFC10] =	vst v4;
	s0 =	sand.u32 $0xFFFFFC00, s8  }
0x46: {  	v5 =	vld [tilespmem:s22+$0x3E0];
	[tilespmem:s23+$0xFFFFFC20] =	vst v7;
	s0 =	sor.u32 s2, s0  }
0x47: {  	[tilespmem:s23+$0xFFFFFC30] =	vst v8;
	v4 =	vld [tilespmem:s22+$0x400];
	s0 =	sshrl.u32 s0, $0x2  }
0x48: {  	[tilespmem:s23+$0xFFFFFC40] =	vst v9;
	v1 =	vld [tilespmem:s22+$0x410];
	s29 =	sadd.s32 s0, s25  }
0x49: {  	[tilespmem:s29+$0x0] =	vst v3;
	v3 =	vld [tilespmem:s22+$0x3F0]  }
0x4a: {  	s30 =	sadd.s32 $0x80, s22;
	[tilespmem:s23+$0xFFFFFC50] =	vst v10;
	v2 =	vld [tilespmem:s22+$0x420];
	s2 =	simm.s32 $0x80  }
0x4b: {  	s31 =	smov.u32 s23;
	v7 =	vld [tilespmem:s22+$0xFFFFFFC0];
	[tilespmem:s23+$0xFFFFFC60] =	vst v11;
	s8 =	sand.u32 $0x300, s2;
	s0 =	simm.s32 $0x100  }
.LBB1_4:
0x4c: {  	p1 =	sne.s32 s0, $0x380;
	v8 =	vld [tilespmem:s30+$0xFFFFFFD0];
	s2 =	sand.u32 $0x80, s2;
	s8 =	sadd.s32 s8, s24;
	[tilespmem:s31+$0x0] =	vst v6  }
0x4d: {  	s8 =	sadd.s32 s2, s8;
	v6 =	vld [tilespmem:s30+$0x430];
	[tilespmem:s31+$0x10] =	vst v5;
	s2 =	smov.u32 s0  }
0x4e: {  	v5 =	vld.idx.msk [tilespmem:v0+s8+$0x400 ss:$0x1], $0xffff;
	[tilespmem:s31+$0x20] =	vst v3  }
0x4f: {  	v3 =	vld [tilespmem:s30+$0xFFFFFFE0];
	[tilespmem:s31+$0x30] =	vst v4  }
0x50: {  	v4 =	vld [tilespmem:s30+$0xFFFFFFF0];
	[tilespmem:s31+$0xFFFFFBF0] =	vst v7  }
0x51: {  	v7 =	vld [tilespmem:s30+$0x0];
	[tilespmem:s31+$0x40] =	vst v1  }
0x52: {  	v1 =	vld [tilespmem:s30+$0x10];
	[tilespmem:s31+$0x50] =	vst v2;
	s31 =	sadd.s32 $0x800, s31  }
0x53: {  	s29 =	sadd.s32 $0x800, s29;
	v2 =	vld [tilespmem:s30+$0x20];
	[tilespmem:s31+$0x60] =	vst v6  }
0x54: {  	v9 =	vld [tilespmem:s30+$0x30];
	[tilespmem:s29+$0x0] =	vst v5  }
0x55: {  	[tilespmem:s31+$0xFFFFFC00] =	vst v8;
	v6 =	vld [tilespmem:s30+$0x3D0]  }
0x56: {  	[tilespmem:s31+$0xFFFFFC10] =	vst v3;
	v5 =	vld [tilespmem:s30+$0x3E0]  }
.Ltmp3:
0x57: {  	[tilespmem:s31+$0xFFFFFC20] =	vst v4;
	v3 =	vld [tilespmem:s30+$0x3F0];
	(pc) =	sbr.rel @p1 .LBB1_4-.Ltmp3, $4  }
0x58: {  	[tilespmem:s31+$0xFFFFFC30] =	vst v7;
	v4 =	vld [tilespmem:s30+$0x400]  }
0x59: {  	[tilespmem:s31+$0xFFFFFC40] =	vst v1;
	v1 =	vld [tilespmem:s30+$0x410]  }
0x5a: {  	[tilespmem:s31+$0xFFFFFC50] =	vst v2;
	v2 =	vld [tilespmem:s30+$0x420]  }
0x5b: {  	s0 =	sadd.s32 $0x80, s0;
	s8 =	sand.u32 $0x300, s2;
	v7 =	vld [tilespmem:s30+$0xFFFFFFC0];
	[tilespmem:s31+$0xFFFFFC60] =	vst v9;
	s30 =	sadd.s32 $0x80, s30  }
0x5c: {  	[tilespmem:s31+$0x0] =	vst v6  }
0x5d: {  	[tilespmem:s31+$0x10] =	vst v5  }
0x5e: {  	v49 =	vld [tilespmem:s30+$0x430];
	[tilespmem:s31+$0x20] =	vst v3  }
0x5f: {  	v50 =	vld [tilespmem:s30+$0xFFFFFFD0];
	[tilespmem:s31+$0x30] =	vst v4  }
0x60: {  	v51 =	vld [tilespmem:s30+$0xFFFFFFE0];
	[tilespmem:s31+$0x40] =	vst v1  }
0x61: {  	s0 =	sand.u32 $0x80, s2;
	s8 =	sadd.s32 s8, s24;
	v52 =	vld [tilespmem:s30+$0xFFFFFFF0];
	[tilespmem:s31+$0x50] =	vst v2  }
0x62: {  	v53 =	vld [tilespmem:s30+$0x0];
	s0 =	sadd.s32 s0, s8;
	s8 =	sadd.s32 $0x800, s31;
	[tilespmem:s31+$0xFFFFFBF0] =	vst v7  }
0x63: {  	v54 =	vld [tilespmem:s30+$0x10];
	[tilespmem:s8+$0x60] =	vst v49  }
0x64: {  	v55 =	vld [tilespmem:s30+$0x20];
	[tilespmem:s8+$0xFFFFFC00] =	vst v50  }
0x65: {  	v56 =	vld [tilespmem:s30+$0x30];
	[tilespmem:s8+$0xFFFFFC10] =	vst v51  }
0x66: {  	v57 =	vld [tilespmem:s30+$0x3D0];
	[tilespmem:s8+$0xFFFFFC20] =	vst v52  }
0x67: {  	v58 =	vld [tilespmem:s30+$0x3E0];
	[tilespmem:s8+$0xFFFFFC30] =	vst v53  }
0x68: {  	v59 =	vld [tilespmem:s30+$0x3F0];
	[tilespmem:s8+$0xFFFFFC40] =	vst v54  }
0x69: {  	v60 =	vld [tilespmem:s30+$0x400];
	[tilespmem:s8+$0xFFFFFC50] =	vst v55  }
0x6a: {  	v61 =	vld [tilespmem:s30+$0xFFFFFFC0];
	[tilespmem:s8+$0xFFFFFC60] =	vst v56  }
0x6b: {  	v62 =	vld [tilespmem:s30+$0x410];
	[tilespmem:s8+$0x0] =	vst v57  }
0x6c: {  	v63 =	vld [tilespmem:s30+$0x420];
	s28 =	sadd.s32 $0x1, s28;
	[tilespmem:s8+$0x10] =	vst v58  }
0x6d: {  	p1 =	sne.s32 s28, $0x8;
	v0 =	vld.idx.msk [tilespmem:v0+s0+$0x400 ss:$0x1], $0xffff;
	[tilespmem:s8+$0x20] =	vst v59  }
.Ltmp4:
0x6e: {  	[tilespmem:s8+$0x30] =	vst v60;
	(pc) =	sbr.rel @p1 .LBB1_3-.Ltmp4, $4  }
0x6f: {  	[tilespmem:s8+$0xFFFFFBF0] =	vst v61  }
0x70: {  	[tilespmem:s8+$0x40] =	vst v62  }
0x71: {  	s22 =	sadd.s32 $0x800, s22;
	s31 =	sadd.s32 $0x800, s29;
	[tilespmem:s8+$0x50] =	vst v63  }
0x72: {  	s27 =	sadd.s32 $0x80, s27;
	p0 =	por !p0, !p0;
	s23 =	sadd.s32 $0x80, s23;
	[tilespmem:s31+$0x0] =	vst v0  }
0x73: {  	p0 =	sgt.s32 s13, $0xF  }
0x74: {  	s0 =	smov.u32 s13;
	s2 =	sshra.s32 s13, $0x1F;
	s30 =	sshll.u32 s12, $0x8  }
0x75: {  	p1 =	sgt.s32 s12, $0x8;
	s8 =	smov.u32 s12;
	s22 =	sshra.s32 s12, $0x1F  }
0x76: {  	s23 =	smov.u32 s11;
	s24 =	sshra.s32 s11, $0x1F;
	s27 =	sshll.u32 s12, $0x7  }
0x77: {  	s28 =	smul.u32 $0x12C00, s13;
	s29 =	sshll.u32 s11, $0x9;
	s0 =	simm.s32 @!p0 $0xF  }
0x78: {  	s2 =	sand.u32 s2, s13;
	s8 =	simm.s32 @!p1 $0x8;
	p1 =	sgt.s32 s11, $0x8E  }
0x79: {  	s22 =	sand.u32 s22, s12;
	s24 =	sand.u32 s24, s11;
	s0 =	ssub.s32 s0, s2  }
0x7a: {  	s23 =	simm.s32 @!p1 $0x8E;
	s8 =	ssub.s32 s8, s22;
	s2 =	sand.u32 $0x800, s30  }
0x7b: {  	s30 =	rddreg [dreg:$0x1];
	s0 =	sadd.s32 $0xFFFFFFF1, s0;
	s31 =	ssub.s32 s23, s24  }
0x7c: {  	s24 =	sadd.s32 $0xFFFFFFF8, s8;
	p0 =	sgt.s32 s0, $0x0;
	s0 =	sshll.u32 s0, $0x8  }
0x7d: {  	s8 =	ssub.s32 $0x10, s8;
	p1 =	sgt.s32 s24, $0x7;
	s0 =	ssub.s32 $0x100, s0  }
0x7e: {  	s25 =	sadd.s32 $0xFFFFFF72, s31;
	s8 =	simm.s32 @p1 $0x0;
	s0 =	simm.s32 @p0 $0x0  }
0x7f: {  	s22 =	ssub.s32 $0x96, s31;
	p0 =	sgt.s32 s25, $0x7;
	s0 =	smul.u32 s8, s0  }
.Ltmp5:
0x80: {  	s22 =	simm.s32 @p0 $0x0;
	s8 =	sand.u32 $0x380, s27;
	(pc) =	sbr.rel .LBB1_7-.Ltmp5, $4  }
0x81: {  	s2 =	sor.u32 s8, s2;
	s8 =	sadd.s32 s30, s28;
	s0 =	smul.u32 s22, s0  }
0x82: {  	s2 =	sshrl.u32 s2, $0x3;
	s8 =	sadd.s32 s29, s8  }
0x83: {  	s31 =	simm.s32 $0x800;
	s2 =	sadd.s32 s2, s8;
	s0 =	sand.u32 $0x3FFFFF00, s0  }
0x84: {  	[hbm4b:s2+s31] =	stream.strided.scatter [tilespmem:s21], [sflag:$0x2], s0, s9, s31, $0x38;
	[tilespmem:$0x10000] =	vst v63  }
.LBB1_8:
0x85: {  	_ =	sfence.sel $0x180000  }
0x86: {  	s0 =	simm.s32 $0x1;
	[bflag:$0x0] =	sbarrier.arrive $0xFFFF  }
0x87: {  	s31 =	simm.s32 $0x2;
	[sflag:s0] =	ssyncpa.u1 $0x1  }
0x88: {  	[sflag:s31] =	ssyncpa.u1 $0x1  }
0x89: {  	_ =	strace $0x90000047  }
0x8a: {  	[bflag:$0x2] =	sbarrier.arrive $0xFFFF  }
0x8b: {  	p0 =	sne.s32 s3, $0x0;
	s0 =	rddreg [dreg:$0x2]  }
0x8c: {  	s0 =	sadd.s32 @!p0 $0x100000, s0  }
0x8d: {  	[sflag:s0] =	ssyncadd.tile.s32 @!p0 $0x1;
	_ =	shalt  }
.Lfunc_end1:
_tile_overlayer_lowered:
.L_overlay_start_2:
0x8e: {  	(tag) =	ssettag $0x2  }
0x8f: {  	s0 =	rddreg [dreg:$0x0];
	s2 =	stileid.u32  }
0x90: {  	s1 =	rddreg [dreg:$0x1];
	p0 =	sne.s32 s2, $0x0  }
0x91: {  	s3 =	rddreg [dreg:$0x2];
	[bflag:$0x3] =	sbarrier.arrive $0xFFFF;
	s2 =	simm.s32 @!p0 $0x1C01  }
0x92: {  	[timem:s3], [sflag:s2] =	dma.local @!p0 [hbm:s0], s1  }
0x93: {  	s0 =	simm.s32 @!p0 $0x1  }
0x94: {  	_ =	swait.ge @!p0 [sflag:s0], s1  }
0x95: {  	s1 =	ssub.s32 @!p0 $0x0, s1;
	[sflag:s0] =	ssyncset.done @!p0 $0x0  }
0x96: {  	[sflag:s0] =	ssyncadd.s32 @!p0 s1  }
0x97: {  	[bflag:$0x3] =	sbarrier.arrive $0xFFFF  }
0x98: {  	_ =	shalt  }

</sc_bundles>
